<compile_context>
chip_gen: v7x
topology: tpu7x:2x2x1
jax: 0.10.2.dev20260603
libtpu: 0.0.44.dev20260713+nightly
codegen_flags: <defaults>
</compile_context>

<pallas_src>
import functools

import jax
import jax.numpy as jnp
from jax import lax
from jax.experimental import pallas as pl
from jax.experimental.pallas import tpu as pltpu
from jax.experimental.pallas import tpu_sc as plsc

NUM_EMBEDDINGS = 1000000
DIM = 64
B = 16384
T = 50
BLK = 128
OPAD = 136
UNITS = (B // BLK) * T
NW = 32
UPW = UNITS // NW


def _make_gather():
    mesh = plsc.VectorSubcoreMesh(core_axis_name="c", subcore_axis_name="s")

    @functools.partial(
        pl.kernel,
        mesh=mesh,
        out_type=jax.ShapeDtypeStruct((T, 8, B // BLK, 8, BLK), jnp.float32),
        scratch_types=[
            pltpu.VMEM((UPW * BLK,), jnp.int32),
            [pltpu.VMEM((BLK, DIM), jnp.float32)] * 2,
            [pltpu.VMEM((8, 8, OPAD), jnp.float32)] * 2,
            [pltpu.SemaphoreType.DMA] * 2,
            [pltpu.SemaphoreType.DMA] * 2,
        ],
        compiler_params=pltpu.CompilerParams(
            use_tc_tiling_on_sc=False, needs_layout_passes=False
        ),
    )
    def gather_kernel(ids_hbm, w_hbm, out_hbm, idsall, g, ob, gsems, osems):
        wid = lax.axis_index("s") * 2 + lax.axis_index("c")
        u0 = wid * UPW
        pltpu.sync_copy(ids_hbm.at[pl.ds(u0 * BLK, UPW * BLK)], idsall)
        iota = lax.iota(jnp.int32, 16)
        rows = [lax.add(iota, 16 * c0) for c0 in range(DIM // 16)]
        rows_i = [lax.shift_right_logical(r, 3) for r in rows]
        rows_ci = [lax.bitwise_and(r, 7) for r in rows]

        def unit_tj(i):
            u = u0 + i
            return u >> 7, u & 127

        def prep(p, i):
            idx = idsall.at[pl.ds(i * BLK, BLK)]
            pltpu.async_copy(w_hbm.at[idx], g[p], gsems[p])

        def g_wait(p, i):
            idx = idsall.at[pl.ds(i * BLK, BLK)]
            pltpu.make_async_copy(w_hbm.at[idx], g[p], gsems[p]).wait()

        def o_src(p):
            return ob[p].at[:, :, pl.ds(0, BLK)]

        def o_start(p, i):
            t, j = unit_tj(i)
            pltpu.async_copy(o_src(p), out_hbm.at[t, :, j, :, :], osems[p])

        def o_wait(p, i):
            t, j = unit_tj(i)
            pltpu.make_async_copy(
                o_src(p), out_hbm.at[t, :, j, :, :], osems[p]
            ).wait()

        def select(p):
            one = lax.full((16,), 1, jnp.int32)

            def krow(j, col):
                for r in range(4):
                    k = 4 * j + r
                    for c0 in range(DIM // 16):
                        v = g[p][k, pl.ds(16 * c0, 16)]
                        plsc.store_scatter(
                            ob[p], [rows_i[c0], rows_ci[c0], col], v
                        )
                    col = lax.add(col, one)
                return col

            lax.fori_loop(0, BLK // 4, krow, lax.full((16,), 0, jnp.int32))

        def fin(p, i, guarded_owait):
            g_wait(p, i)
            if guarded_owait is None:
                o_wait(p, i - 2)
            else:
                @pl.when(guarded_owait)
                def _():
                    o_wait(p, i - 2)

            select(p)
            o_start(p, i)

        prep(0, 0)
        prep(1, 1)

        def body(j, carry):
            i = 2 * j
            fin(0, i, j > 0)
            prep(0, i + 2)
            fin(1, i + 1, j > 0)
            prep(1, i + 3)
            return carry

        lax.fori_loop(0, UPW // 2 - 1, body, 0)

        last = UPW - 2
        fin(0, last, None)
        fin(1, last + 1, None)
        o_wait(0, last)
        o_wait(1, last + 1)

    return gather_kernel


_gather = _make_gather()


@jax.jit
def kernel(input_ids, weight):
    ids_flat = input_ids.T.reshape(T * B)
    out5 = _gather(ids_flat, weight)
    out = out5.transpose(2, 4, 0, 1, 3).reshape(B, T, DIM)
    return out

# --- scband reference (transcript-rebuilt; emitter-appended) ---
"""Pipeline reference for scband-growable-embedding-15539191677311 (READ-ONLY COPY).

The authoritative reference and input builder live on the scoring server;
editing this copy changes nothing except your own understanding.
"""

import jax, jax.numpy as jnp
import numpy as np

NUM_EMBEDDINGS = 1000000
EMBEDDING_DIM = 64
PADDING_IDX = 0


def setup_inputs(seed: int = 0) -> dict:
    key = jax.random.key(seed)
    k_idx, k_w = jax.random.split(key)
    input_ids = jax.random.randint(k_idx, (16384, 50), 0, NUM_EMBEDDINGS, dtype=jnp.int64 if jax.config.jax_enable_x64 else jnp.int32)
    weight = jax.random.normal(k_w, (NUM_EMBEDDINGS, EMBEDDING_DIM), dtype=jnp.float32)
    # padding_idx row is zeroed at init (reset_parameters)
    weight = weight.at[PADDING_IDX].set(0.0)
    return {"input_ids": input_ids, "weight": weight}


def reference(input_ids, weight):
    # nn.functional.embedding(input_ids, weight, padding_idx=PADDING_IDX)
    # forward is a pure gather; padding row already zero in the table
    return jnp.take(weight, input_ids, axis=0)

if __name__ == "__main__":
    import jax
    _d = setup_inputs()
    print(jax.jit(kernel)(*tuple(_d.values())))

</pallas_src>

<mosaic_0001>
#map = affine_map<(d0, d1) -> (0)>
#map1 = affine_map<(d0, d1) -> (0, 0)>
#map2 = affine_map<(d0, d1) -> (0, 0, 0, 0, 0)>
module attributes {stable_mosaic.version = 14 : i64} {
  func.func @gather_kernel(%arg0: i32, %arg1: i32, %arg2: memref<819200xi32, #tpu.memory_space<hbm>>, %arg3: memref<1000000x64xf32, #tpu.memory_space<hbm>>, %arg4: memref<50x8x128x8x128xf32, #tpu.memory_space<hbm>>, %arg5: memref<25600xi32, #tpu.memory_space<vmem>>, %arg6: memref<128x64xf32, #tpu.memory_space<vmem>>, %arg7: memref<128x64xf32, #tpu.memory_space<vmem>>, %arg8: memref<8x8x136xf32, #tpu.memory_space<vmem>>, %arg9: memref<8x8x136xf32, #tpu.memory_space<vmem>>, %arg10: memref<!tpu.dma_semaphore, #tpu.memory_space<semaphore_mem>>, %arg11: memref<!tpu.dma_semaphore, #tpu.memory_space<semaphore_mem>>, %arg12: memref<!tpu.dma_semaphore, #tpu.memory_space<semaphore_mem>>, %arg13: memref<!tpu.dma_semaphore, #tpu.memory_space<semaphore_mem>>) attributes {dimension_semantics = [#tpu.dimension_semantics<core_parallel>, #tpu.dimension_semantics<subcore_parallel>], iteration_bounds = array<i64: 2, 16>, scalar_prefetch = 0 : i64, scratch_operands = 9 : i64, tpu.core_type = #tpu.core_type<sc_vector_subcore>, window_params = [{transform_indices = #map}, {transform_indices = #map1}, {transform_indices = #map2}]} {
    %mul3A = arith.constant 2 : i32
    %mul3A_0 = arith.muli %arg1, %mul3A : i32
    %add3A = arith.addi %mul3A_0, %arg0 : i32
    %mul3A_1 = arith.constant 200 : i32
    %mul3A_2 = arith.muli %add3A, %mul3A_1 : i32
    %mul3A_3 = arith.constant 128 : i32
    %mul3A_4 = arith.muli %mul3A_2, %mul3A_3 : i32
    "tpu.region"() ({
      %run_scoped3A = tpu.sem_alloc : memref<!tpu.dma_semaphore, #tpu.memory_space<semaphore_mem>>
      %dma_start3A_224 = tpu.memref_slice %arg2[%mul3A_4] : memref<819200xi32, #tpu.memory_space<hbm>> -> memref<25600xi32, #tpu.memory_space<hbm>>
      %dma_start3A_225 = tpu.memref_slice %arg2[%mul3A_4] : memref<819200xi32, #tpu.memory_space<hbm>> -> memref<25600xi32, #tpu.memory_space<hbm>>
      tpu.enqueue_dma source(%dma_start3A_225 : memref<25600xi32, #tpu.memory_space<hbm>>) target(%arg5 : memref<25600xi32, #tpu.memory_space<vmem>>) target_semaphore(%run_scoped3A : memref<!tpu.dma_semaphore, #tpu.memory_space<semaphore_mem>>)
      %dma_wait3A_226 = tpu.memref_slice %arg2[%mul3A_4] : memref<819200xi32, #tpu.memory_space<hbm>> -> memref<25600xi32, #tpu.memory_space<hbm>>
      %dma_wait3A_227 = tpu.memref_slice %arg2[%mul3A_4] : memref<819200xi32, #tpu.memory_space<hbm>> -> memref<25600xi32, #tpu.memory_space<hbm>>
      tpu.wait_dma2 semaphore(%run_scoped3A : memref<!tpu.dma_semaphore, #tpu.memory_space<semaphore_mem>>) src(%dma_wait3A_227 : memref<25600xi32, #tpu.memory_space<hbm>>) dst(%arg5 : memref<25600xi32, #tpu.memory_space<vmem>>)
      tpu.yield
    }) : () -> ()
    %iota3A = tpu.iota {dimensions = array<i32: 0>} : vector<16xi32>
    %add3A_5 = arith.constant 0 : i32
    %add3A_6 = vector.broadcast %add3A_5 : i32 to vector<16xi32>
    %add3A_7 = arith.addi %iota3A, %add3A_6 : vector<16xi32>
    %add3A_8 = arith.constant 16 : i32
    %add3A_9 = vector.broadcast %add3A_8 : i32 to vector<16xi32>
    %add3A_10 = arith.addi %iota3A, %add3A_9 : vector<16xi32>
    %add3A_11 = arith.constant 32 : i32
    %add3A_12 = vector.broadcast %add3A_11 : i32 to vector<16xi32>
    %add3A_13 = arith.addi %iota3A, %add3A_12 : vector<16xi32>
    %add3A_14 = arith.constant 48 : i32
    %add3A_15 = vector.broadcast %add3A_14 : i32 to vector<16xi32>
    %add3A_16 = arith.addi %iota3A, %add3A_15 : vector<16xi32>
    %shift_right_logical3A = arith.constant 3 : i32
    %shift_right_logical3A_17 = vector.broadcast %shift_right_logical3A : i32 to vector<16xi32>
    %shift_right_logical3A_18 = arith.shrui %add3A_7, %shift_right_logical3A_17 : vector<16xi32>
    %shift_right_logical3A_19 = arith.constant 3 : i32
    %shift_right_logical3A_20 = vector.broadcast %shift_right_logical3A_19 : i32 to vector<16xi32>
    %shift_right_logical3A_21 = arith.shrui %add3A_10, %shift_right_logical3A_20 : vector<16xi32>
    %shift_right_logical3A_22 = arith.constant 3 : i32
    %shift_right_logical3A_23 = vector.broadcast %shift_right_logical3A_22 : i32 to vector<16xi32>
    %shift_right_logical3A_24 = arith.shrui %add3A_13, %shift_right_logical3A_23 : vector<16xi32>
    %shift_right_logical3A_25 = arith.constant 3 : i32
    %shift_right_logical3A_26 = vector.broadcast %shift_right_logical3A_25 : i32 to vector<16xi32>
    %shift_right_logical3A_27 = arith.shrui %add3A_16, %shift_right_logical3A_26 : vector<16xi32>
    %and3A = arith.constant 7 : i32
    %and3A_28 = vector.broadcast %and3A : i32 to vector<16xi32>
    %and3A_29 = arith.andi %add3A_7, %and3A_28 : vector<16xi32>
    %and3A_30 = arith.constant 7 : i32
    %and3A_31 = vector.broadcast %and3A_30 : i32 to vector<16xi32>
    %and3A_32 = arith.andi %add3A_10, %and3A_31 : vector<16xi32>
    %and3A_33 = arith.constant 7 : i32
    %and3A_34 = vector.broadcast %and3A_33 : i32 to vector<16xi32>
    %and3A_35 = arith.andi %add3A_13, %and3A_34 : vector<16xi32>
    %and3A_36 = arith.constant 7 : i32
    %and3A_37 = vector.broadcast %and3A_36 : i32 to vector<16xi32>
    %and3A_38 = arith.andi %add3A_16, %and3A_37 : vector<16xi32>
    %dma_start3A = arith.constant 0 : i32
    %dma_start3A_39 = tpu.memref_slice %arg5[%dma_start3A] : memref<25600xi32, #tpu.memory_space<vmem>> -> memref<128xi32, #tpu.memory_space<vmem>>
    %dma_start3A_40 = arith.constant 0 : i32
    %dma_start3A_41 = arith.constant 0 : i32
    %dma_start3A_42 = tpu.memref_slice %arg3[%dma_start3A_40, %dma_start3A_41] : memref<1000000x64xf32, #tpu.memory_space<hbm>> -> memref<1000000x64xf32, #tpu.memory_space<hbm>>
    tpu.enqueue_indirect_dma source(%dma_start3A_42 : memref<1000000x64xf32, #tpu.memory_space<hbm>>) target(%arg6 : memref<128x64xf32, #tpu.memory_space<vmem>>) offsets(%dma_start3A_39 : memref<128xi32, #tpu.memory_space<vmem>>) semaphore(%arg10 : memref<!tpu.dma_semaphore, #tpu.memory_space<semaphore_mem>>)
    %dma_start3A_43 = arith.constant 128 : i32
    %dma_start3A_44 = tpu.memref_slice %arg5[%dma_start3A_43] : memref<25600xi32, #tpu.memory_space<vmem>> -> memref<128xi32, #tpu.memory_space<vmem>>
    %dma_start3A_45 = arith.constant 0 : i32
    %dma_start3A_46 = arith.constant 0 : i32
    %dma_start3A_47 = tpu.memref_slice %arg3[%dma_start3A_45, %dma_start3A_46] : memref<1000000x64xf32, #tpu.memory_space<hbm>> -> memref<1000000x64xf32, #tpu.memory_space<hbm>>
    tpu.enqueue_indirect_dma source(%dma_start3A_47 : memref<1000000x64xf32, #tpu.memory_space<hbm>>) target(%arg7 : memref<128x64xf32, #tpu.memory_space<vmem>>) offsets(%dma_start3A_44 : memref<128xi32, #tpu.memory_space<vmem>>) semaphore(%arg11 : memref<!tpu.dma_semaphore, #tpu.memory_space<semaphore_mem>>)
    %scan3A = arith.constant 0 : i32
    %scan3A_48 = arith.constant 0 : i32
    %scan3A_49 = arith.constant 99 : i32
    %scan3A_50 = arith.addi %scan3A_48, %scan3A_49 : i32
    %scan3A_51 = arith.constant 1 : i32
    scf.for %scan3A_224 = %scan3A_48 to %scan3A_50 step %scan3A_51  : i32 {
      %mul3A_225 = arith.constant 2 : i32
      %mul3A_226 = arith.muli %mul3A_225, %scan3A_224 : i32
      %gt3A = arith.constant 0 : i32
      %gt3A_227 = arith.cmpi sgt, %scan3A_224, %gt3A : i32
      %mul3A_228 = arith.constant 128 : i32
      %mul3A_229 = arith.muli %mul3A_226, %mul3A_228 : i32
      %dma_wait3A_230 = tpu.memref_slice %arg5[%mul3A_229] : memref<25600xi32, #tpu.memory_space<vmem>> -> memref<128xi32, #tpu.memory_space<vmem>>
      %dma_wait3A_231 = arith.constant 0 : i32
      %dma_wait3A_232 = arith.constant 0 : i32
      %dma_wait3A_233 = tpu.memref_slice %arg3[%dma_wait3A_231, %dma_wait3A_232] : memref<1000000x64xf32, #tpu.memory_space<hbm>> -> memref<1000000x64xf32, #tpu.memory_space<hbm>>
      tpu.wait_indirect_dma semaphore(%arg10 : memref<!tpu.dma_semaphore, #tpu.memory_space<semaphore_mem>>) src(%dma_wait3A_233 : memref<1000000x64xf32, #tpu.memory_space<hbm>>) dst(%arg6 : memref<128x64xf32, #tpu.memory_space<vmem>>)
      %convert_element_type3A = arith.extui %gt3A_227 : i1 to i32
      %cond3A = arith.constant 0 : i32
      %cond3A_234 = arith.cmpi ne, %convert_element_type3A, %cond3A : i32
      scf.if %cond3A_234 {
        %sub3A = arith.constant 2 : i32
        %sub3A_330 = arith.subi %mul3A_226, %sub3A : i32
        %add3A_331 = arith.addi %mul3A_2, %sub3A_330 : i32
        %shift_right_arithmetic3A_332 = arith.constant 7 : i32
        %shift_right_arithmetic3A_333 = arith.shrsi %add3A_331, %shift_right_arithmetic3A_332 : i32
        %and3A_334 = arith.constant 127 : i32
        %and3A_335 = arith.andi %add3A_331, %and3A_334 : i32
        %dma_wait3A_336 = arith.constant 0 : i32
        %dma_wait3A_337 = arith.constant 0 : i32
        %dma_wait3A_338 = arith.constant 0 : i32
        %dma_wait3A_339 = tpu.memref_slice %arg8[%dma_wait3A_336, %dma_wait3A_337, %dma_wait3A_338] : memref<8x8x136xf32, #tpu.memory_space<vmem>> -> memref<8x8x128xf32, #tpu.memory_space<vmem>>
        %dma_wait3A_340 = arith.constant 0 : i32
        %dma_wait3A_341 = arith.constant 0 : i32
        %dma_wait3A_342 = arith.constant 0 : i32
        %dma_wait3A_343 = tpu.memref_slice %arg4[%shift_right_arithmetic3A_333, %dma_wait3A_340, %and3A_335, %dma_wait3A_341, %dma_wait3A_342] : memref<50x8x128x8x128xf32, #tpu.memory_space<hbm>> -> memref<1x8x1x8x128xf32, #tpu.memory_space<hbm>>
        %dma_wait3A_344 = tpu.memref_squeeze %dma_wait3A_343 : memref<1x8x1x8x128xf32, #tpu.memory_space<hbm>> -> memref<8x8x128xf32, #tpu.memory_space<hbm>>
        %dma_wait3A_345 = arith.constant 0 : i32
        %dma_wait3A_346 = arith.constant 0 : i32
        %dma_wait3A_347 = arith.constant 0 : i32
        %dma_wait3A_348 = tpu.memref_slice %arg4[%shift_right_arithmetic3A_333, %dma_wait3A_345, %and3A_335, %dma_wait3A_346, %dma_wait3A_347] : memref<50x8x128x8x128xf32, #tpu.memory_space<hbm>> -> memref<1x8x1x8x128xf32, #tpu.memory_space<hbm>>
        %dma_wait3A_349 = tpu.memref_squeeze %dma_wait3A_348 : memref<1x8x1x8x128xf32, #tpu.memory_space<hbm>> -> memref<8x8x128xf32, #tpu.memory_space<hbm>>
        %dma_wait3A_350 = arith.constant 0 : i32
        %dma_wait3A_351 = arith.constant 0 : i32
        %dma_wait3A_352 = arith.constant 0 : i32
        %dma_wait3A_353 = tpu.memref_slice %arg8[%dma_wait3A_350, %dma_wait3A_351, %dma_wait3A_352] : memref<8x8x136xf32, #tpu.memory_space<vmem>> -> memref<8x8x128xf32, #tpu.memory_space<vmem>>
        tpu.wait_dma2 semaphore(%arg12 : memref<!tpu.dma_semaphore, #tpu.memory_space<semaphore_mem>>) src(%dma_wait3A_353 : memref<8x8x128xf32, #tpu.memory_space<vmem>>) dst(%dma_wait3A_349 : memref<8x8x128xf32, #tpu.memory_space<hbm>>)
      } else {
      }
      %broadcast_in_dim3A_235 = arith.constant 1 : i32
      %broadcast_in_dim3A_236 = vector.broadcast %broadcast_in_dim3A_235 : i32 to vector<16xi32>
      %broadcast_in_dim3A_237 = arith.constant 0 : i32
      %broadcast_in_dim3A_238 = vector.broadcast %broadcast_in_dim3A_237 : i32 to vector<16xi32>
      %scan3A_239 = arith.constant 0 : i32
      %scan3A_240 = arith.constant 32 : i32
      %scan3A_241 = arith.addi %scan3A_239, %scan3A_240 : i32
      %scan3A_242 = arith.constant 1 : i32
      %scan3A_243 = scf.for %scan3A_330 = %scan3A_239 to %scan3A_241 step %scan3A_242 iter_args(%scan3A_331 = %broadcast_in_dim3A_238) -> (vector<16xi32>)  : i32 {
        %mul3A_332 = arith.constant 4 : i32
        %mul3A_333 = arith.muli %mul3A_332, %scan3A_330 : i32
        %add3A_334 = arith.constant 0 : i32
        %add3A_335 = arith.addi %mul3A_333, %add3A_334 : i32
        %get3A = arith.index_cast %add3A_335 : i32 to index
        %get3A_336 = arith.constant 0 : index
        %get3A_337 = tpu.vector_load %arg6[%get3A, %get3A_336] {strides = array<i32>} : memref<128x64xf32, #tpu.memory_space<vmem>>, vector<16xf32>,
        tpu.vector_store_idx %arg8[%shift_right_logical3A_18, %and3A_29, %scan3A_331], %get3A_337 : memref<8x8x136xf32, #tpu.memory_space<vmem>>[vector<16xi32>, vector<16xi32>, vector<16xi32>], vector<16xf32>,
        %get3A_338 = arith.index_cast %add3A_335 : i32 to index
        %get3A_339 = arith.constant 16 : index
        %get3A_340 = tpu.vector_load %arg6[%get3A_338, %get3A_339] {strides = array<i32>} : memref<128x64xf32, #tpu.memory_space<vmem>>, vector<16xf32>,
        tpu.vector_store_idx %arg8[%shift_right_logical3A_21, %and3A_32, %scan3A_331], %get3A_340 : memref<8x8x136xf32, #tpu.memory_space<vmem>>[vector<16xi32>, vector<16xi32>, vector<16xi32>], vector<16xf32>,
        %get3A_341 = arith.index_cast %add3A_335 : i32 to index
        %get3A_342 = arith.constant 32 : index
        %get3A_343 = tpu.vector_load %arg6[%get3A_341, %get3A_342] {strides = array<i32>} : memref<128x64xf32, #tpu.memory_space<vmem>>, vector<16xf32>,
        tpu.vector_store_idx %arg8[%shift_right_logical3A_24, %and3A_35, %scan3A_331], %get3A_343 : memref<8x8x136xf32, #tpu.memory_space<vmem>>[vector<16xi32>, vector<16xi32>, vector<16xi32>], vector<16xf32>,
        %get3A_344 = arith.index_cast %add3A_335 : i32 to index
        %get3A_345 = arith.constant 48 : index
        %get3A_346 = tpu.vector_load %arg6[%get3A_344, %get3A_345] {strides = array<i32>} : memref<128x64xf32, #tpu.memory_space<vmem>>, vector<16xf32>,
        tpu.vector_store_idx %arg8[%shift_right_logical3A_27, %and3A_38, %scan3A_331], %get3A_346 : memref<8x8x136xf32, #tpu.memory_space<vmem>>[vector<16xi32>, vector<16xi32>, vector<16xi32>], vector<16xf32>,
        %add3A_347 = arith.addi %scan3A_331, %broadcast_in_dim3A_236 : vector<16xi32>
        %mul3A_348 = arith.constant 4 : i32
        %mul3A_349 = arith.muli %mul3A_348, %scan3A_330 : i32
        %add3A_350 = arith.constant 1 : i32
        %add3A_351 = arith.addi %mul3A_349, %add3A_350 : i32
        %get3A_352 = arith.index_cast %add3A_351 : i32 to index
        %get3A_353 = arith.constant 0 : index
        %get3A_354 = tpu.vector_load %arg6[%get3A_352, %get3A_353] {strides = array<i32>} : memref<128x64xf32, #tpu.memory_space<vmem>>, vector<16xf32>,
        tpu.vector_store_idx %arg8[%shift_right_logical3A_18, %and3A_29, %add3A_347], %get3A_354 : memref<8x8x136xf32, #tpu.memory_space<vmem>>[vector<16xi32>, vector<16xi32>, vector<16xi32>], vector<16xf32>,
        %get3A_355 = arith.index_cast %add3A_351 : i32 to index
        %get3A_356 = arith.constant 16 : index
        %get3A_357 = tpu.vector_load %arg6[%get3A_355, %get3A_356] {strides = array<i32>} : memref<128x64xf32, #tpu.memory_space<vmem>>, vector<16xf32>,
        tpu.vector_store_idx %arg8[%shift_right_logical3A_21, %and3A_32, %add3A_347], %get3A_357 : memref<8x8x136xf32, #tpu.memory_space<vmem>>[vector<16xi32>, vector<16xi32>, vector<16xi32>], vector<16xf32>,
        %get3A_358 = arith.index_cast %add3A_351 : i32 to index
        %get3A_359 = arith.constant 32 : index
        %get3A_360 = tpu.vector_load %arg6[%get3A_358, %get3A_359] {strides = array<i32>} : memref<128x64xf32, #tpu.memory_space<vmem>>, vector<16xf32>,
        tpu.vector_store_idx %arg8[%shift_right_logical3A_24, %and3A_35, %add3A_347], %get3A_360 : memref<8x8x136xf32, #tpu.memory_space<vmem>>[vector<16xi32>, vector<16xi32>, vector<16xi32>], vector<16xf32>,
        %get3A_361 = arith.index_cast %add3A_351 : i32 to index
        %get3A_362 = arith.constant 48 : index
        %get3A_363 = tpu.vector_load %arg6[%get3A_361, %get3A_362] {strides = array<i32>} : memref<128x64xf32, #tpu.memory_space<vmem>>, vector<16xf32>,
        tpu.vector_store_idx %arg8[%shift_right_logical3A_27, %and3A_38, %add3A_347], %get3A_363 : memref<8x8x136xf32, #tpu.memory_space<vmem>>[vector<16xi32>, vector<16xi32>, vector<16xi32>], vector<16xf32>,
        %add3A_364 = arith.addi %add3A_347, %broadcast_in_dim3A_236 : vector<16xi32>
        %mul3A_365 = arith.constant 4 : i32
        %mul3A_366 = arith.muli %mul3A_365, %scan3A_330 : i32
        %add3A_367 = arith.constant 2 : i32
        %add3A_368 = arith.addi %mul3A_366, %add3A_367 : i32
        %get3A_369 = arith.index_cast %add3A_368 : i32 to index
        %get3A_370 = arith.constant 0 : index
        %get3A_371 = tpu.vector_load %arg6[%get3A_369, %get3A_370] {strides = array<i32>} : memref<128x64xf32, #tpu.memory_space<vmem>>, vector<16xf32>,
        tpu.vector_store_idx %arg8[%shift_right_logical3A_18, %and3A_29, %add3A_364], %get3A_371 : memref<8x8x136xf32, #tpu.memory_space<vmem>>[vector<16xi32>, vector<16xi32>, vector<16xi32>], vector<16xf32>,
        %get3A_372 = arith.index_cast %add3A_368 : i32 to index
        %get3A_373 = arith.constant 16 : index
        %get3A_374 = tpu.vector_load %arg6[%get3A_372, %get3A_373] {strides = array<i32>} : memref<128x64xf32, #tpu.memory_space<vmem>>, vector<16xf32>,
        tpu.vector_store_idx %arg8[%shift_right_logical3A_21, %and3A_32, %add3A_364], %get3A_374 : memref<8x8x136xf32, #tpu.memory_space<vmem>>[vector<16xi32>, vector<16xi32>, vector<16xi32>], vector<16xf32>,
        %get3A_375 = arith.index_cast %add3A_368 : i32 to index
        %get3A_376 = arith.constant 32 : index
        %get3A_377 = tpu.vector_load %arg6[%get3A_375, %get3A_376] {strides = array<i32>} : memref<128x64xf32, #tpu.memory_space<vmem>>, vector<16xf32>,
        tpu.vector_store_idx %arg8[%shift_right_logical3A_24, %and3A_35, %add3A_364], %get3A_377 : memref<8x8x136xf32, #tpu.memory_space<vmem>>[vector<16xi32>, vector<16xi32>, vector<16xi32>], vector<16xf32>,
        %get3A_378 = arith.index_cast %add3A_368 : i32 to index
        %get3A_379 = arith.constant 48 : index
        %get3A_380 = tpu.vector_load %arg6[%get3A_378, %get3A_379] {strides = array<i32>} : memref<128x64xf32, #tpu.memory_space<vmem>>, vector<16xf32>,
        tpu.vector_store_idx %arg8[%shift_right_logical3A_27, %and3A_38, %add3A_364], %get3A_380 : memref<8x8x136xf32, #tpu.memory_space<vmem>>[vector<16xi32>, vector<16xi32>, vector<16xi32>], vector<16xf32>,
        %add3A_381 = arith.addi %add3A_364, %broadcast_in_dim3A_236 : vector<16xi32>
        %mul3A_382 = arith.constant 4 : i32
        %mul3A_383 = arith.muli %mul3A_382, %scan3A_330 : i32
        %add3A_384 = arith.constant 3 : i32
        %add3A_385 = arith.addi %mul3A_383, %add3A_384 : i32
        %get3A_386 = arith.index_cast %add3A_385 : i32 to index
        %get3A_387 = arith.constant 0 : index
        %get3A_388 = tpu.vector_load %arg6[%get3A_386, %get3A_387] {strides = array<i32>} : memref<128x64xf32, #tpu.memory_space<vmem>>, vector<16xf32>,
        tpu.vector_store_idx %arg8[%shift_right_logical3A_18, %and3A_29, %add3A_381], %get3A_388 : memref<8x8x136xf32, #tpu.memory_space<vmem>>[vector<16xi32>, vector<16xi32>, vector<16xi32>], vector<16xf32>,
        %get3A_389 = arith.index_cast %add3A_385 : i32 to index
        %get3A_390 = arith.constant 16 : index
        %get3A_391 = tpu.vector_load %arg6[%get3A_389, %get3A_390] {strides = array<i32>} : memref<128x64xf32, #tpu.memory_space<vmem>>, vector<16xf32>,
        tpu.vector_store_idx %arg8[%shift_right_logical3A_21, %and3A_32, %add3A_381], %get3A_391 : memref<8x8x136xf32, #tpu.memory_space<vmem>>[vector<16xi32>, vector<16xi32>, vector<16xi32>], vector<16xf32>,
        %get3A_392 = arith.index_cast %add3A_385 : i32 to index
        %get3A_393 = arith.constant 32 : index
        %get3A_394 = tpu.vector_load %arg6[%get3A_392, %get3A_393] {strides = array<i32>} : memref<128x64xf32, #tpu.memory_space<vmem>>, vector<16xf32>,
        tpu.vector_store_idx %arg8[%shift_right_logical3A_24, %and3A_35, %add3A_381], %get3A_394 : memref<8x8x136xf32, #tpu.memory_space<vmem>>[vector<16xi32>, vector<16xi32>, vector<16xi32>], vector<16xf32>,
        %get3A_395 = arith.index_cast %add3A_385 : i32 to index
        %get3A_396 = arith.constant 48 : index
        %get3A_397 = tpu.vector_load %arg6[%get3A_395, %get3A_396] {strides = array<i32>} : memref<128x64xf32, #tpu.memory_space<vmem>>, vector<16xf32>,
        tpu.vector_store_idx %arg8[%shift_right_logical3A_27, %and3A_38, %add3A_381], %get3A_397 : memref<8x8x136xf32, #tpu.memory_space<vmem>>[vector<16xi32>, vector<16xi32>, vector<16xi32>], vector<16xf32>,
        %add3A_398 = arith.addi %add3A_381, %broadcast_in_dim3A_236 : vector<16xi32>
        scf.yield %add3A_398 : vector<16xi32>
      }
      %scan3A_244 = arith.constant 32 : i32
      %add3A_245 = arith.addi %mul3A_2, %mul3A_226 : i32
      %shift_right_arithmetic3A_246 = arith.constant 7 : i32
      %shift_right_arithmetic3A_247 = arith.shrsi %add3A_245, %shift_right_arithmetic3A_246 : i32
      %and3A_248 = arith.constant 127 : i32
      %and3A_249 = arith.andi %add3A_245, %and3A_248 : i32
      %dma_start3A_250 = arith.constant 0 : i32
      %dma_start3A_251 = arith.constant 0 : i32
      %dma_start3A_252 = arith.constant 0 : i32
      %dma_start3A_253 = tpu.memref_slice %arg8[%dma_start3A_250, %dma_start3A_251, %dma_start3A_252] : memref<8x8x136xf32, #tpu.memory_space<vmem>> -> memref<8x8x128xf32, #tpu.memory_space<vmem>>
      %dma_start3A_254 = arith.constant 0 : i32
      %dma_start3A_255 = arith.constant 0 : i32
      %dma_start3A_256 = arith.constant 0 : i32
      %dma_start3A_257 = tpu.memref_slice %arg4[%shift_right_arithmetic3A_247, %dma_start3A_254, %and3A_249, %dma_start3A_255, %dma_start3A_256] : memref<50x8x128x8x128xf32, #tpu.memory_space<hbm>> -> memref<1x8x1x8x128xf32, #tpu.memory_space<hbm>>
      %dma_start3A_258 = tpu.memref_squeeze %dma_start3A_257 : memref<1x8x1x8x128xf32, #tpu.memory_space<hbm>> -> memref<8x8x128xf32, #tpu.memory_space<hbm>>
      %dma_start3A_259 = arith.constant 0 : i32
      %dma_start3A_260 = arith.constant 0 : i32
      %dma_start3A_261 = arith.constant 0 : i32
      %dma_start3A_262 = tpu.memref_slice %arg4[%shift_right_arithmetic3A_247, %dma_start3A_259, %and3A_249, %dma_start3A_260, %dma_start3A_261] : memref<50x8x128x8x128xf32, #tpu.memory_space<hbm>> -> memref<1x8x1x8x128xf32, #tpu.memory_space<hbm>>
      %dma_start3A_263 = tpu.memref_squeeze %dma_start3A_262 : memref<1x8x1x8x128xf32, #tpu.memory_space<hbm>> -> memref<8x8x128xf32, #tpu.memory_space<hbm>>
      %dma_start3A_264 = arith.constant 0 : i32
      %dma_start3A_265 = arith.constant 0 : i32
      %dma_start3A_266 = arith.constant 0 : i32
      %dma_start3A_267 = tpu.memref_slice %arg8[%dma_start3A_264, %dma_start3A_265, %dma_start3A_266] : memref<8x8x136xf32, #tpu.memory_space<vmem>> -> memref<8x8x128xf32, #tpu.memory_space<vmem>>
      tpu.enqueue_dma source(%dma_start3A_267 : memref<8x8x128xf32, #tpu.memory_space<vmem>>) target(%dma_start3A_263 : memref<8x8x128xf32, #tpu.memory_space<hbm>>) target_semaphore(%arg12 : memref<!tpu.dma_semaphore, #tpu.memory_space<semaphore_mem>>)
      %add3A_268 = arith.constant 2 : i32
      %add3A_269 = arith.addi %mul3A_226, %add3A_268 : i32
      %mul3A_270 = arith.constant 128 : i32
      %mul3A_271 = arith.muli %add3A_269, %mul3A_270 : i32
      %dma_start3A_272 = tpu.memref_slice %arg5[%mul3A_271] : memref<25600xi32, #tpu.memory_space<vmem>> -> memref<128xi32, #tpu.memory_space<vmem>>
      %dma_start3A_273 = arith.constant 0 : i32
      %dma_start3A_274 = arith.constant 0 : i32
      %dma_start3A_275 = tpu.memref_slice %arg3[%dma_start3A_273, %dma_start3A_274] : memref<1000000x64xf32, #tpu.memory_space<hbm>> -> memref<1000000x64xf32, #tpu.memory_space<hbm>>
      tpu.enqueue_indirect_dma source(%dma_start3A_275 : memref<1000000x64xf32, #tpu.memory_space<hbm>>) target(%arg6 : memref<128x64xf32, #tpu.memory_space<vmem>>) offsets(%dma_start3A_272 : memref<128xi32, #tpu.memory_space<vmem>>) semaphore(%arg10 : memref<!tpu.dma_semaphore, #tpu.memory_space<semaphore_mem>>)
      %add3A_276 = arith.constant 1 : i32
      %add3A_277 = arith.addi %mul3A_226, %add3A_276 : i32
      %gt3A_278 = arith.constant 0 : i32
      %gt3A_279 = arith.cmpi sgt, %scan3A_224, %gt3A_278 : i32
      %mul3A_280 = arith.constant 128 : i32
      %mul3A_281 = arith.muli %add3A_277, %mul3A_280 : i32
      %dma_wait3A_282 = tpu.memref_slice %arg5[%mul3A_281] : memref<25600xi32, #tpu.memory_space<vmem>> -> memref<128xi32, #tpu.memory_space<vmem>>
      %dma_wait3A_283 = arith.constant 0 : i32
      %dma_wait3A_284 = arith.constant 0 : i32
      %dma_wait3A_285 = tpu.memref_slice %arg3[%dma_wait3A_283, %dma_wait3A_284] : memref<1000000x64xf32, #tpu.memory_space<hbm>> -> memref<1000000x64xf32, #tpu.memory_space<hbm>>
      tpu.wait_indirect_dma semaphore(%arg11 : memref<!tpu.dma_semaphore, #tpu.memory_space<semaphore_mem>>) src(%dma_wait3A_285 : memref<1000000x64xf32, #tpu.memory_space<hbm>>) dst(%arg7 : memref<128x64xf32, #tpu.memory_space<vmem>>)
      %convert_element_type3A_286 = arith.extui %gt3A_279 : i1 to i32
      %cond3A_287 = arith.constant 0 : i32
      %cond3A_288 = arith.cmpi ne, %convert_element_type3A_286, %cond3A_287 : i32
      scf.if %cond3A_288 {
        %sub3A = arith.constant 2 : i32
        %sub3A_330 = arith.subi %add3A_277, %sub3A : i32
        %add3A_331 = arith.addi %mul3A_2, %sub3A_330 : i32
        %shift_right_arithmetic3A_332 = arith.constant 7 : i32
        %shift_right_arithmetic3A_333 = arith.shrsi %add3A_331, %shift_right_arithmetic3A_332 : i32
        %and3A_334 = arith.constant 127 : i32
        %and3A_335 = arith.andi %add3A_331, %and3A_334 : i32
        %dma_wait3A_336 = arith.constant 0 : i32
        %dma_wait3A_337 = arith.constant 0 : i32
        %dma_wait3A_338 = arith.constant 0 : i32
        %dma_wait3A_339 = tpu.memref_slice %arg9[%dma_wait3A_336, %dma_wait3A_337, %dma_wait3A_338] : memref<8x8x136xf32, #tpu.memory_space<vmem>> -> memref<8x8x128xf32, #tpu.memory_space<vmem>>
        %dma_wait3A_340 = arith.constant 0 : i32
        %dma_wait3A_341 = arith.constant 0 : i32
        %dma_wait3A_342 = arith.constant 0 : i32
        %dma_wait3A_343 = tpu.memref_slice %arg4[%shift_right_arithmetic3A_333, %dma_wait3A_340, %and3A_335, %dma_wait3A_341, %dma_wait3A_342] : memref<50x8x128x8x128xf32, #tpu.memory_space<hbm>> -> memref<1x8x1x8x128xf32, #tpu.memory_space<hbm>>
        %dma_wait3A_344 = tpu.memref_squeeze %dma_wait3A_343 : memref<1x8x1x8x128xf32, #tpu.memory_space<hbm>> -> memref<8x8x128xf32, #tpu.memory_space<hbm>>
        %dma_wait3A_345 = arith.constant 0 : i32
        %dma_wait3A_346 = arith.constant 0 : i32
        %dma_wait3A_347 = arith.constant 0 : i32
        %dma_wait3A_348 = tpu.memref_slice %arg4[%shift_right_arithmetic3A_333, %dma_wait3A_345, %and3A_335, %dma_wait3A_346, %dma_wait3A_347] : memref<50x8x128x8x128xf32, #tpu.memory_space<hbm>> -> memref<1x8x1x8x128xf32, #tpu.memory_space<hbm>>
        %dma_wait3A_349 = tpu.memref_squeeze %dma_wait3A_348 : memref<1x8x1x8x128xf32, #tpu.memory_space<hbm>> -> memref<8x8x128xf32, #tpu.memory_space<hbm>>
        %dma_wait3A_350 = arith.constant 0 : i32
        %dma_wait3A_351 = arith.constant 0 : i32
        %dma_wait3A_352 = arith.constant 0 : i32
        %dma_wait3A_353 = tpu.memref_slice %arg9[%dma_wait3A_350, %dma_wait3A_351, %dma_wait3A_352] : memref<8x8x136xf32, #tpu.memory_space<vmem>> -> memref<8x8x128xf32, #tpu.memory_space<vmem>>
        tpu.wait_dma2 semaphore(%arg13 : memref<!tpu.dma_semaphore, #tpu.memory_space<semaphore_mem>>) src(%dma_wait3A_353 : memref<8x8x128xf32, #tpu.memory_space<vmem>>) dst(%dma_wait3A_349 : memref<8x8x128xf32, #tpu.memory_space<hbm>>)
      } else {
      }
      %broadcast_in_dim3A_289 = arith.constant 1 : i32
      %broadcast_in_dim3A_290 = vector.broadcast %broadcast_in_dim3A_289 : i32 to vector<16xi32>
      %broadcast_in_dim3A_291 = arith.constant 0 : i32
      %broadcast_in_dim3A_292 = vector.broadcast %broadcast_in_dim3A_291 : i32 to vector<16xi32>
      %scan3A_293 = arith.constant 0 : i32
      %scan3A_294 = arith.constant 32 : i32
      %scan3A_295 = arith.addi %scan3A_293, %scan3A_294 : i32
      %scan3A_296 = arith.constant 1 : i32
      %scan3A_297 = scf.for %scan3A_330 = %scan3A_293 to %scan3A_295 step %scan3A_296 iter_args(%scan3A_331 = %broadcast_in_dim3A_292) -> (vector<16xi32>)  : i32 {
        %mul3A_332 = arith.constant 4 : i32
        %mul3A_333 = arith.muli %mul3A_332, %scan3A_330 : i32
        %add3A_334 = arith.constant 0 : i32
        %add3A_335 = arith.addi %mul3A_333, %add3A_334 : i32
        %get3A = arith.index_cast %add3A_335 : i32 to index
        %get3A_336 = arith.constant 0 : index
        %get3A_337 = tpu.vector_load %arg7[%get3A, %get3A_336] {strides = array<i32>} : memref<128x64xf32, #tpu.memory_space<vmem>>, vector<16xf32>,
        tpu.vector_store_idx %arg9[%shift_right_logical3A_18, %and3A_29, %scan3A_331], %get3A_337 : memref<8x8x136xf32, #tpu.memory_space<vmem>>[vector<16xi32>, vector<16xi32>, vector<16xi32>], vector<16xf32>,
        %get3A_338 = arith.index_cast %add3A_335 : i32 to index
        %get3A_339 = arith.constant 16 : index
        %get3A_340 = tpu.vector_load %arg7[%get3A_338, %get3A_339] {strides = array<i32>} : memref<128x64xf32, #tpu.memory_space<vmem>>, vector<16xf32>,
        tpu.vector_store_idx %arg9[%shift_right_logical3A_21, %and3A_32, %scan3A_331], %get3A_340 : memref<8x8x136xf32, #tpu.memory_space<vmem>>[vector<16xi32>, vector<16xi32>, vector<16xi32>], vector<16xf32>,
        %get3A_341 = arith.index_cast %add3A_335 : i32 to index
        %get3A_342 = arith.constant 32 : index
        %get3A_343 = tpu.vector_load %arg7[%get3A_341, %get3A_342] {strides = array<i32>} : memref<128x64xf32, #tpu.memory_space<vmem>>, vector<16xf32>,
        tpu.vector_store_idx %arg9[%shift_right_logical3A_24, %and3A_35, %scan3A_331], %get3A_343 : memref<8x8x136xf32, #tpu.memory_space<vmem>>[vector<16xi32>, vector<16xi32>, vector<16xi32>], vector<16xf32>,
        %get3A_344 = arith.index_cast %add3A_335 : i32 to index
        %get3A_345 = arith.constant 48 : index
        %get3A_346 = tpu.vector_load %arg7[%get3A_344, %get3A_345] {strides = array<i32>} : memref<128x64xf32, #tpu.memory_space<vmem>>, vector<16xf32>,
        tpu.vector_store_idx %arg9[%shift_right_logical3A_27, %and3A_38, %scan3A_331], %get3A_346 : memref<8x8x136xf32, #tpu.memory_space<vmem>>[vector<16xi32>, vector<16xi32>, vector<16xi32>], vector<16xf32>,
        %add3A_347 = arith.addi %scan3A_331, %broadcast_in_dim3A_290 : vector<16xi32>
        %mul3A_348 = arith.constant 4 : i32
        %mul3A_349 = arith.muli %mul3A_348, %scan3A_330 : i32
        %add3A_350 = arith.constant 1 : i32
        %add3A_351 = arith.addi %mul3A_349, %add3A_350 : i32
        %get3A_352 = arith.index_cast %add3A_351 : i32 to index
        %get3A_353 = arith.constant 0 : index
        %get3A_354 = tpu.vector_load %arg7[%get3A_352, %get3A_353] {strides = array<i32>} : memref<128x64xf32, #tpu.memory_space<vmem>>, vector<16xf32>,
        tpu.vector_store_idx %arg9[%shift_right_logical3A_18, %and3A_29, %add3A_347], %get3A_354 : memref<8x8x136xf32, #tpu.memory_space<vmem>>[vector<16xi32>, vector<16xi32>, vector<16xi32>], vector<16xf32>,
        %get3A_355 = arith.index_cast %add3A_351 : i32 to index
        %get3A_356 = arith.constant 16 : index
        %get3A_357 = tpu.vector_load %arg7[%get3A_355, %get3A_356] {strides = array<i32>} : memref<128x64xf32, #tpu.memory_space<vmem>>, vector<16xf32>,
        tpu.vector_store_idx %arg9[%shift_right_logical3A_21, %and3A_32, %add3A_347], %get3A_357 : memref<8x8x136xf32, #tpu.memory_space<vmem>>[vector<16xi32>, vector<16xi32>, vector<16xi32>], vector<16xf32>,
        %get3A_358 = arith.index_cast %add3A_351 : i32 to index
        %get3A_359 = arith.constant 32 : index
        %get3A_360 = tpu.vector_load %arg7[%get3A_358, %get3A_359] {strides = array<i32>} : memref<128x64xf32, #tpu.memory_space<vmem>>, vector<16xf32>,
        tpu.vector_store_idx %arg9[%shift_right_logical3A_24, %and3A_35, %add3A_347], %get3A_360 : memref<8x8x136xf32, #tpu.memory_space<vmem>>[vector<16xi32>, vector<16xi32>, vector<16xi32>], vector<16xf32>,
        %get3A_361 = arith.index_cast %add3A_351 : i32 to index
        %get3A_362 = arith.constant 48 : index
        %get3A_363 = tpu.vector_load %arg7[%get3A_361, %get3A_362] {strides = array<i32>} : memref<128x64xf32, #tpu.memory_space<vmem>>, vector<16xf32>,
        tpu.vector_store_idx %arg9[%shift_right_logical3A_27, %and3A_38, %add3A_347], %get3A_363 : memref<8x8x136xf32, #tpu.memory_space<vmem>>[vector<16xi32>, vector<16xi32>, vector<16xi32>], vector<16xf32>,
        %add3A_364 = arith.addi %add3A_347, %broadcast_in_dim3A_290 : vector<16xi32>
        %mul3A_365 = arith.constant 4 : i32
        %mul3A_366 = arith.muli %mul3A_365, %scan3A_330 : i32
        %add3A_367 = arith.constant 2 : i32
        %add3A_368 = arith.addi %mul3A_366, %add3A_367 : i32
        %get3A_369 = arith.index_cast %add3A_368 : i32 to index
        %get3A_370 = arith.constant 0 : index
        %get3A_371 = tpu.vector_load %arg7[%get3A_369, %get3A_370] {strides = array<i32>} : memref<128x64xf32, #tpu.memory_space<vmem>>, vector<16xf32>,
        tpu.vector_store_idx %arg9[%shift_right_logical3A_18, %and3A_29, %add3A_364], %get3A_371 : memref<8x8x136xf32, #tpu.memory_space<vmem>>[vector<16xi32>, vector<16xi32>, vector<16xi32>], vector<16xf32>,
        %get3A_372 = arith.index_cast %add3A_368 : i32 to index
        %get3A_373 = arith.constant 16 : index
        %get3A_374 = tpu.vector_load %arg7[%get3A_372, %get3A_373] {strides = array<i32>} : memref<128x64xf32, #tpu.memory_space<vmem>>, vector<16xf32>,
        tpu.vector_store_idx %arg9[%shift_right_logical3A_21, %and3A_32, %add3A_364], %get3A_374 : memref<8x8x136xf32, #tpu.memory_space<vmem>>[vector<16xi32>, vector<16xi32>, vector<16xi32>], vector<16xf32>,
        %get3A_375 = arith.index_cast %add3A_368 : i32 to index
        %get3A_376 = arith.constant 32 : index
        %get3A_377 = tpu.vector_load %arg7[%get3A_375, %get3A_376] {strides = array<i32>} : memref<128x64xf32, #tpu.memory_space<vmem>>, vector<16xf32>,
        tpu.vector_store_idx %arg9[%shift_right_logical3A_24, %and3A_35, %add3A_364], %get3A_377 : memref<8x8x136xf32, #tpu.memory_space<vmem>>[vector<16xi32>, vector<16xi32>, vector<16xi32>], vector<16xf32>,
        %get3A_378 = arith.index_cast %add3A_368 : i32 to index
        %get3A_379 = arith.constant 48 : index
        %get3A_380 = tpu.vector_load %arg7[%get3A_378, %get3A_379] {strides = array<i32>} : memref<128x64xf32, #tpu.memory_space<vmem>>, vector<16xf32>,
        tpu.vector_store_idx %arg9[%shift_right_logical3A_27, %and3A_38, %add3A_364], %get3A_380 : memref<8x8x136xf32, #tpu.memory_space<vmem>>[vector<16xi32>, vector<16xi32>, vector<16xi32>], vector<16xf32>,
        %add3A_381 = arith.addi %add3A_364, %broadcast_in_dim3A_290 : vector<16xi32>
        %mul3A_382 = arith.constant 4 : i32
        %mul3A_383 = arith.muli %mul3A_382, %scan3A_330 : i32
        %add3A_384 = arith.constant 3 : i32
        %add3A_385 = arith.addi %mul3A_383, %add3A_384 : i32
        %get3A_386 = arith.index_cast %add3A_385 : i32 to index
        %get3A_387 = arith.constant 0 : index
        %get3A_388 = tpu.vector_load %arg7[%get3A_386, %get3A_387] {strides = array<i32>} : memref<128x64xf32, #tpu.memory_space<vmem>>, vector<16xf32>,
        tpu.vector_store_idx %arg9[%shift_right_logical3A_18, %and3A_29, %add3A_381], %get3A_388 : memref<8x8x136xf32, #tpu.memory_space<vmem>>[vector<16xi32>, vector<16xi32>, vector<16xi32>], vector<16xf32>,
        %get3A_389 = arith.index_cast %add3A_385 : i32 to index
        %get3A_390 = arith.constant 16 : index
        %get3A_391 = tpu.vector_load %arg7[%get3A_389, %get3A_390] {strides = array<i32>} : memref<128x64xf32, #tpu.memory_space<vmem>>, vector<16xf32>,
        tpu.vector_store_idx %arg9[%shift_right_logical3A_21, %and3A_32, %add3A_381], %get3A_391 : memref<8x8x136xf32, #tpu.memory_space<vmem>>[vector<16xi32>, vector<16xi32>, vector<16xi32>], vector<16xf32>,
        %get3A_392 = arith.index_cast %add3A_385 : i32 to index
        %get3A_393 = arith.constant 32 : index
        %get3A_394 = tpu.vector_load %arg7[%get3A_392, %get3A_393] {strides = array<i32>} : memref<128x64xf32, #tpu.memory_space<vmem>>, vector<16xf32>,
        tpu.vector_store_idx %arg9[%shift_right_logical3A_24, %and3A_35, %add3A_381], %get3A_394 : memref<8x8x136xf32, #tpu.memory_space<vmem>>[vector<16xi32>, vector<16xi32>, vector<16xi32>], vector<16xf32>,
        %get3A_395 = arith.index_cast %add3A_385 : i32 to index
        %get3A_396 = arith.constant 48 : index
        %get3A_397 = tpu.vector_load %arg7[%get3A_395, %get3A_396] {strides = array<i32>} : memref<128x64xf32, #tpu.memory_space<vmem>>, vector<16xf32>,
        tpu.vector_store_idx %arg9[%shift_right_logical3A_27, %and3A_38, %add3A_381], %get3A_397 : memref<8x8x136xf32, #tpu.memory_space<vmem>>[vector<16xi32>, vector<16xi32>, vector<16xi32>], vector<16xf32>,
        %add3A_398 = arith.addi %add3A_381, %broadcast_in_dim3A_290 : vector<16xi32>
        scf.yield %add3A_398 : vector<16xi32>
      }
      %scan3A_298 = arith.constant 32 : i32
      %add3A_299 = arith.addi %mul3A_2, %add3A_277 : i32
      %shift_right_arithmetic3A_300 = arith.constant 7 : i32
      %shift_right_arithmetic3A_301 = arith.shrsi %add3A_299, %shift_right_arithmetic3A_300 : i32
      %and3A_302 = arith.constant 127 : i32
      %and3A_303 = arith.andi %add3A_299, %and3A_302 : i32
      %dma_start3A_304 = arith.constant 0 : i32
      %dma_start3A_305 = arith.constant 0 : i32
      %dma_start3A_306 = arith.constant 0 : i32
      %dma_start3A_307 = tpu.memref_slice %arg9[%dma_start3A_304, %dma_start3A_305, %dma_start3A_306] : memref<8x8x136xf32, #tpu.memory_space<vmem>> -> memref<8x8x128xf32, #tpu.memory_space<vmem>>
      %dma_start3A_308 = arith.constant 0 : i32
      %dma_start3A_309 = arith.constant 0 : i32
      %dma_start3A_310 = arith.constant 0 : i32
      %dma_start3A_311 = tpu.memref_slice %arg4[%shift_right_arithmetic3A_301, %dma_start3A_308, %and3A_303, %dma_start3A_309, %dma_start3A_310] : memref<50x8x128x8x128xf32, #tpu.memory_space<hbm>> -> memref<1x8x1x8x128xf32, #tpu.memory_space<hbm>>
      %dma_start3A_312 = tpu.memref_squeeze %dma_start3A_311 : memref<1x8x1x8x128xf32, #tpu.memory_space<hbm>> -> memref<8x8x128xf32, #tpu.memory_space<hbm>>
      %dma_start3A_313 = arith.constant 0 : i32
      %dma_start3A_314 = arith.constant 0 : i32
      %dma_start3A_315 = arith.constant 0 : i32
      %dma_start3A_316 = tpu.memref_slice %arg4[%shift_right_arithmetic3A_301, %dma_start3A_313, %and3A_303, %dma_start3A_314, %dma_start3A_315] : memref<50x8x128x8x128xf32, #tpu.memory_space<hbm>> -> memref<1x8x1x8x128xf32, #tpu.memory_space<hbm>>
      %dma_start3A_317 = tpu.memref_squeeze %dma_start3A_316 : memref<1x8x1x8x128xf32, #tpu.memory_space<hbm>> -> memref<8x8x128xf32, #tpu.memory_space<hbm>>
      %dma_start3A_318 = arith.constant 0 : i32
      %dma_start3A_319 = arith.constant 0 : i32
      %dma_start3A_320 = arith.constant 0 : i32
      %dma_start3A_321 = tpu.memref_slice %arg9[%dma_start3A_318, %dma_start3A_319, %dma_start3A_320] : memref<8x8x136xf32, #tpu.memory_space<vmem>> -> memref<8x8x128xf32, #tpu.memory_space<vmem>>
      tpu.enqueue_dma source(%dma_start3A_321 : memref<8x8x128xf32, #tpu.memory_space<vmem>>) target(%dma_start3A_317 : memref<8x8x128xf32, #tpu.memory_space<hbm>>) target_semaphore(%arg13 : memref<!tpu.dma_semaphore, #tpu.memory_space<semaphore_mem>>)
      %add3A_322 = arith.constant 3 : i32
      %add3A_323 = arith.addi %mul3A_226, %add3A_322 : i32
      %mul3A_324 = arith.constant 128 : i32
      %mul3A_325 = arith.muli %add3A_323, %mul3A_324 : i32
      %dma_start3A_326 = tpu.memref_slice %arg5[%mul3A_325] : memref<25600xi32, #tpu.memory_space<vmem>> -> memref<128xi32, #tpu.memory_space<vmem>>
      %dma_start3A_327 = arith.constant 0 : i32
      %dma_start3A_328 = arith.constant 0 : i32
      %dma_start3A_329 = tpu.memref_slice %arg3[%dma_start3A_327, %dma_start3A_328] : memref<1000000x64xf32, #tpu.memory_space<hbm>> -> memref<1000000x64xf32, #tpu.memory_space<hbm>>
      tpu.enqueue_indirect_dma source(%dma_start3A_329 : memref<1000000x64xf32, #tpu.memory_space<hbm>>) target(%arg7 : memref<128x64xf32, #tpu.memory_space<vmem>>) offsets(%dma_start3A_326 : memref<128xi32, #tpu.memory_space<vmem>>) semaphore(%arg11 : memref<!tpu.dma_semaphore, #tpu.memory_space<semaphore_mem>>)
    }
    %scan3A_52 = arith.constant 99 : i32
    %dma_wait3A = arith.constant 25344 : i32
    %dma_wait3A_53 = tpu.memref_slice %arg5[%dma_wait3A] : memref<25600xi32, #tpu.memory_space<vmem>> -> memref<128xi32, #tpu.memory_space<vmem>>
    %dma_wait3A_54 = arith.constant 0 : i32
    %dma_wait3A_55 = arith.constant 0 : i32
    %dma_wait3A_56 = tpu.memref_slice %arg3[%dma_wait3A_54, %dma_wait3A_55] : memref<1000000x64xf32, #tpu.memory_space<hbm>> -> memref<1000000x64xf32, #tpu.memory_space<hbm>>
    tpu.wait_indirect_dma semaphore(%arg10 : memref<!tpu.dma_semaphore, #tpu.memory_space<semaphore_mem>>) src(%dma_wait3A_56 : memref<1000000x64xf32, #tpu.memory_space<hbm>>) dst(%arg6 : memref<128x64xf32, #tpu.memory_space<vmem>>)
    %add3A_57 = arith.constant 196 : i32
    %add3A_58 = arith.addi %mul3A_2, %add3A_57 : i32
    %shift_right_arithmetic3A = arith.constant 7 : i32
    %shift_right_arithmetic3A_59 = arith.shrsi %add3A_58, %shift_right_arithmetic3A : i32
    %and3A_60 = arith.constant 127 : i32
    %and3A_61 = arith.andi %add3A_58, %and3A_60 : i32
    %dma_wait3A_62 = arith.constant 0 : i32
    %dma_wait3A_63 = arith.constant 0 : i32
    %dma_wait3A_64 = arith.constant 0 : i32
    %dma_wait3A_65 = tpu.memref_slice %arg8[%dma_wait3A_62, %dma_wait3A_63, %dma_wait3A_64] : memref<8x8x136xf32, #tpu.memory_space<vmem>> -> memref<8x8x128xf32, #tpu.memory_space<vmem>>
    %dma_wait3A_66 = arith.constant 0 : i32
    %dma_wait3A_67 = arith.constant 0 : i32
    %dma_wait3A_68 = arith.constant 0 : i32
    %dma_wait3A_69 = tpu.memref_slice %arg4[%shift_right_arithmetic3A_59, %dma_wait3A_66, %and3A_61, %dma_wait3A_67, %dma_wait3A_68] : memref<50x8x128x8x128xf32, #tpu.memory_space<hbm>> -> memref<1x8x1x8x128xf32, #tpu.memory_space<hbm>>
    %dma_wait3A_70 = tpu.memref_squeeze %dma_wait3A_69 : memref<1x8x1x8x128xf32, #tpu.memory_space<hbm>> -> memref<8x8x128xf32, #tpu.memory_space<hbm>>
    %dma_wait3A_71 = arith.constant 0 : i32
    %dma_wait3A_72 = arith.constant 0 : i32
    %dma_wait3A_73 = arith.constant 0 : i32
    %dma_wait3A_74 = tpu.memref_slice %arg4[%shift_right_arithmetic3A_59, %dma_wait3A_71, %and3A_61, %dma_wait3A_72, %dma_wait3A_73] : memref<50x8x128x8x128xf32, #tpu.memory_space<hbm>> -> memref<1x8x1x8x128xf32, #tpu.memory_space<hbm>>
    %dma_wait3A_75 = tpu.memref_squeeze %dma_wait3A_74 : memref<1x8x1x8x128xf32, #tpu.memory_space<hbm>> -> memref<8x8x128xf32, #tpu.memory_space<hbm>>
    %dma_wait3A_76 = arith.constant 0 : i32
    %dma_wait3A_77 = arith.constant 0 : i32
    %dma_wait3A_78 = arith.constant 0 : i32
    %dma_wait3A_79 = tpu.memref_slice %arg8[%dma_wait3A_76, %dma_wait3A_77, %dma_wait3A_78] : memref<8x8x136xf32, #tpu.memory_space<vmem>> -> memref<8x8x128xf32, #tpu.memory_space<vmem>>
    tpu.wait_dma2 semaphore(%arg12 : memref<!tpu.dma_semaphore, #tpu.memory_space<semaphore_mem>>) src(%dma_wait3A_79 : memref<8x8x128xf32, #tpu.memory_space<vmem>>) dst(%dma_wait3A_75 : memref<8x8x128xf32, #tpu.memory_space<hbm>>)
    %broadcast_in_dim3A = arith.constant 1 : i32
    %broadcast_in_dim3A_80 = vector.broadcast %broadcast_in_dim3A : i32 to vector<16xi32>
    %broadcast_in_dim3A_81 = arith.constant 0 : i32
    %broadcast_in_dim3A_82 = vector.broadcast %broadcast_in_dim3A_81 : i32 to vector<16xi32>
    %scan3A_83 = arith.constant 0 : i32
    %scan3A_84 = arith.constant 32 : i32
    %scan3A_85 = arith.addi %scan3A_83, %scan3A_84 : i32
    %scan3A_86 = arith.constant 1 : i32
    %scan3A_87 = scf.for %scan3A_224 = %scan3A_83 to %scan3A_85 step %scan3A_86 iter_args(%scan3A_225 = %broadcast_in_dim3A_82) -> (vector<16xi32>)  : i32 {
      %mul3A_226 = arith.constant 4 : i32
      %mul3A_227 = arith.muli %mul3A_226, %scan3A_224 : i32
      %add3A_228 = arith.constant 0 : i32
      %add3A_229 = arith.addi %mul3A_227, %add3A_228 : i32
      %get3A = arith.index_cast %add3A_229 : i32 to index
      %get3A_230 = arith.constant 0 : index
      %get3A_231 = tpu.vector_load %arg6[%get3A, %get3A_230] {strides = array<i32>} : memref<128x64xf32, #tpu.memory_space<vmem>>, vector<16xf32>,
      tpu.vector_store_idx %arg8[%shift_right_logical3A_18, %and3A_29, %scan3A_225], %get3A_231 : memref<8x8x136xf32, #tpu.memory_space<vmem>>[vector<16xi32>, vector<16xi32>, vector<16xi32>], vector<16xf32>,
      %get3A_232 = arith.index_cast %add3A_229 : i32 to index
      %get3A_233 = arith.constant 16 : index
      %get3A_234 = tpu.vector_load %arg6[%get3A_232, %get3A_233] {strides = array<i32>} : memref<128x64xf32, #tpu.memory_space<vmem>>, vector<16xf32>,
      tpu.vector_store_idx %arg8[%shift_right_logical3A_21, %and3A_32, %scan3A_225], %get3A_234 : memref<8x8x136xf32, #tpu.memory_space<vmem>>[vector<16xi32>, vector<16xi32>, vector<16xi32>], vector<16xf32>,
      %get3A_235 = arith.index_cast %add3A_229 : i32 to index
      %get3A_236 = arith.constant 32 : index
      %get3A_237 = tpu.vector_load %arg6[%get3A_235, %get3A_236] {strides = array<i32>} : memref<128x64xf32, #tpu.memory_space<vmem>>, vector<16xf32>,
      tpu.vector_store_idx %arg8[%shift_right_logical3A_24, %and3A_35, %scan3A_225], %get3A_237 : memref<8x8x136xf32, #tpu.memory_space<vmem>>[vector<16xi32>, vector<16xi32>, vector<16xi32>], vector<16xf32>,
      %get3A_238 = arith.index_cast %add3A_229 : i32 to index
      %get3A_239 = arith.constant 48 : index
      %get3A_240 = tpu.vector_load %arg6[%get3A_238, %get3A_239] {strides = array<i32>} : memref<128x64xf32, #tpu.memory_space<vmem>>, vector<16xf32>,
      tpu.vector_store_idx %arg8[%shift_right_logical3A_27, %and3A_38, %scan3A_225], %get3A_240 : memref<8x8x136xf32, #tpu.memory_space<vmem>>[vector<16xi32>, vector<16xi32>, vector<16xi32>], vector<16xf32>,
      %add3A_241 = arith.addi %scan3A_225, %broadcast_in_dim3A_80 : vector<16xi32>
      %mul3A_242 = arith.constant 4 : i32
      %mul3A_243 = arith.muli %mul3A_242, %scan3A_224 : i32
      %add3A_244 = arith.constant 1 : i32
      %add3A_245 = arith.addi %mul3A_243, %add3A_244 : i32
      %get3A_246 = arith.index_cast %add3A_245 : i32 to index
      %get3A_247 = arith.constant 0 : index
      %get3A_248 = tpu.vector_load %arg6[%get3A_246, %get3A_247] {strides = array<i32>} : memref<128x64xf32, #tpu.memory_space<vmem>>, vector<16xf32>,
      tpu.vector_store_idx %arg8[%shift_right_logical3A_18, %and3A_29, %add3A_241], %get3A_248 : memref<8x8x136xf32, #tpu.memory_space<vmem>>[vector<16xi32>, vector<16xi32>, vector<16xi32>], vector<16xf32>,
      %get3A_249 = arith.index_cast %add3A_245 : i32 to index
      %get3A_250 = arith.constant 16 : index
      %get3A_251 = tpu.vector_load %arg6[%get3A_249, %get3A_250] {strides = array<i32>} : memref<128x64xf32, #tpu.memory_space<vmem>>, vector<16xf32>,
      tpu.vector_store_idx %arg8[%shift_right_logical3A_21, %and3A_32, %add3A_241], %get3A_251 : memref<8x8x136xf32, #tpu.memory_space<vmem>>[vector<16xi32>, vector<16xi32>, vector<16xi32>], vector<16xf32>,
      %get3A_252 = arith.index_cast %add3A_245 : i32 to index
      %get3A_253 = arith.constant 32 : index
      %get3A_254 = tpu.vector_load %arg6[%get3A_252, %get3A_253] {strides = array<i32>} : memref<128x64xf32, #tpu.memory_space<vmem>>, vector<16xf32>,
      tpu.vector_store_idx %arg8[%shift_right_logical3A_24, %and3A_35, %add3A_241], %get3A_254 : memref<8x8x136xf32, #tpu.memory_space<vmem>>[vector<16xi32>, vector<16xi32>, vector<16xi32>], vector<16xf32>,
      %get3A_255 = arith.index_cast %add3A_245 : i32 to index
      %get3A_256 = arith.constant 48 : index
      %get3A_257 = tpu.vector_load %arg6[%get3A_255, %get3A_256] {strides = array<i32>} : memref<128x64xf32, #tpu.memory_space<vmem>>, vector<16xf32>,
      tpu.vector_store_idx %arg8[%shift_right_logical3A_27, %and3A_38, %add3A_241], %get3A_257 : memref<8x8x136xf32, #tpu.memory_space<vmem>>[vector<16xi32>, vector<16xi32>, vector<16xi32>], vector<16xf32>,
      %add3A_258 = arith.addi %add3A_241, %broadcast_in_dim3A_80 : vector<16xi32>
      %mul3A_259 = arith.constant 4 : i32
      %mul3A_260 = arith.muli %mul3A_259, %scan3A_224 : i32
      %add3A_261 = arith.constant 2 : i32
      %add3A_262 = arith.addi %mul3A_260, %add3A_261 : i32
      %get3A_263 = arith.index_cast %add3A_262 : i32 to index
      %get3A_264 = arith.constant 0 : index
      %get3A_265 = tpu.vector_load %arg6[%get3A_263, %get3A_264] {strides = array<i32>} : memref<128x64xf32, #tpu.memory_space<vmem>>, vector<16xf32>,
      tpu.vector_store_idx %arg8[%shift_right_logical3A_18, %and3A_29, %add3A_258], %get3A_265 : memref<8x8x136xf32, #tpu.memory_space<vmem>>[vector<16xi32>, vector<16xi32>, vector<16xi32>], vector<16xf32>,
      %get3A_266 = arith.index_cast %add3A_262 : i32 to index
      %get3A_267 = arith.constant 16 : index
      %get3A_268 = tpu.vector_load %arg6[%get3A_266, %get3A_267] {strides = array<i32>} : memref<128x64xf32, #tpu.memory_space<vmem>>, vector<16xf32>,
      tpu.vector_store_idx %arg8[%shift_right_logical3A_21, %and3A_32, %add3A_258], %get3A_268 : memref<8x8x136xf32, #tpu.memory_space<vmem>>[vector<16xi32>, vector<16xi32>, vector<16xi32>], vector<16xf32>,
      %get3A_269 = arith.index_cast %add3A_262 : i32 to index
      %get3A_270 = arith.constant 32 : index
      %get3A_271 = tpu.vector_load %arg6[%get3A_269, %get3A_270] {strides = array<i32>} : memref<128x64xf32, #tpu.memory_space<vmem>>, vector<16xf32>,
      tpu.vector_store_idx %arg8[%shift_right_logical3A_24, %and3A_35, %add3A_258], %get3A_271 : memref<8x8x136xf32, #tpu.memory_space<vmem>>[vector<16xi32>, vector<16xi32>, vector<16xi32>], vector<16xf32>,
      %get3A_272 = arith.index_cast %add3A_262 : i32 to index
      %get3A_273 = arith.constant 48 : index
      %get3A_274 = tpu.vector_load %arg6[%get3A_272, %get3A_273] {strides = array<i32>} : memref<128x64xf32, #tpu.memory_space<vmem>>, vector<16xf32>,
      tpu.vector_store_idx %arg8[%shift_right_logical3A_27, %and3A_38, %add3A_258], %get3A_274 : memref<8x8x136xf32, #tpu.memory_space<vmem>>[vector<16xi32>, vector<16xi32>, vector<16xi32>], vector<16xf32>,
      %add3A_275 = arith.addi %add3A_258, %broadcast_in_dim3A_80 : vector<16xi32>
      %mul3A_276 = arith.constant 4 : i32
      %mul3A_277 = arith.muli %mul3A_276, %scan3A_224 : i32
      %add3A_278 = arith.constant 3 : i32
      %add3A_279 = arith.addi %mul3A_277, %add3A_278 : i32
      %get3A_280 = arith.index_cast %add3A_279 : i32 to index
      %get3A_281 = arith.constant 0 : index
      %get3A_282 = tpu.vector_load %arg6[%get3A_280, %get3A_281] {strides = array<i32>} : memref<128x64xf32, #tpu.memory_space<vmem>>, vector<16xf32>,
      tpu.vector_store_idx %arg8[%shift_right_logical3A_18, %and3A_29, %add3A_275], %get3A_282 : memref<8x8x136xf32, #tpu.memory_space<vmem>>[vector<16xi32>, vector<16xi32>, vector<16xi32>], vector<16xf32>,
      %get3A_283 = arith.index_cast %add3A_279 : i32 to index
      %get3A_284 = arith.constant 16 : index
      %get3A_285 = tpu.vector_load %arg6[%get3A_283, %get3A_284] {strides = array<i32>} : memref<128x64xf32, #tpu.memory_space<vmem>>, vector<16xf32>,
      tpu.vector_store_idx %arg8[%shift_right_logical3A_21, %and3A_32, %add3A_275], %get3A_285 : memref<8x8x136xf32, #tpu.memory_space<vmem>>[vector<16xi32>, vector<16xi32>, vector<16xi32>], vector<16xf32>,
      %get3A_286 = arith.index_cast %add3A_279 : i32 to index
      %get3A_287 = arith.constant 32 : index
      %get3A_288 = tpu.vector_load %arg6[%get3A_286, %get3A_287] {strides = array<i32>} : memref<128x64xf32, #tpu.memory_space<vmem>>, vector<16xf32>,
      tpu.vector_store_idx %arg8[%shift_right_logical3A_24, %and3A_35, %add3A_275], %get3A_288 : memref<8x8x136xf32, #tpu.memory_space<vmem>>[vector<16xi32>, vector<16xi32>, vector<16xi32>], vector<16xf32>,
      %get3A_289 = arith.index_cast %add3A_279 : i32 to index
      %get3A_290 = arith.constant 48 : index
      %get3A_291 = tpu.vector_load %arg6[%get3A_289, %get3A_290] {strides = array<i32>} : memref<128x64xf32, #tpu.memory_space<vmem>>, vector<16xf32>,
      tpu.vector_store_idx %arg8[%shift_right_logical3A_27, %and3A_38, %add3A_275], %get3A_291 : memref<8x8x136xf32, #tpu.memory_space<vmem>>[vector<16xi32>, vector<16xi32>, vector<16xi32>], vector<16xf32>,
      %add3A_292 = arith.addi %add3A_275, %broadcast_in_dim3A_80 : vector<16xi32>
      scf.yield %add3A_292 : vector<16xi32>
    }
    %scan3A_88 = arith.constant 32 : i32
    %add3A_89 = arith.constant 198 : i32
    %add3A_90 = arith.addi %mul3A_2, %add3A_89 : i32
    %shift_right_arithmetic3A_91 = arith.constant 7 : i32
    %shift_right_arithmetic3A_92 = arith.shrsi %add3A_90, %shift_right_arithmetic3A_91 : i32
    %and3A_93 = arith.constant 127 : i32
    %and3A_94 = arith.andi %add3A_90, %and3A_93 : i32
    %dma_start3A_95 = arith.constant 0 : i32
    %dma_start3A_96 = arith.constant 0 : i32
    %dma_start3A_97 = arith.constant 0 : i32
    %dma_start3A_98 = tpu.memref_slice %arg8[%dma_start3A_95, %dma_start3A_96, %dma_start3A_97] : memref<8x8x136xf32, #tpu.memory_space<vmem>> -> memref<8x8x128xf32, #tpu.memory_space<vmem>>
    %dma_start3A_99 = arith.constant 0 : i32
    %dma_start3A_100 = arith.constant 0 : i32
    %dma_start3A_101 = arith.constant 0 : i32
    %dma_start3A_102 = tpu.memref_slice %arg4[%shift_right_arithmetic3A_92, %dma_start3A_99, %and3A_94, %dma_start3A_100, %dma_start3A_101] : memref<50x8x128x8x128xf32, #tpu.memory_space<hbm>> -> memref<1x8x1x8x128xf32, #tpu.memory_space<hbm>>
    %dma_start3A_103 = tpu.memref_squeeze %dma_start3A_102 : memref<1x8x1x8x128xf32, #tpu.memory_space<hbm>> -> memref<8x8x128xf32, #tpu.memory_space<hbm>>
    %dma_start3A_104 = arith.constant 0 : i32
    %dma_start3A_105 = arith.constant 0 : i32
    %dma_start3A_106 = arith.constant 0 : i32
    %dma_start3A_107 = tpu.memref_slice %arg4[%shift_right_arithmetic3A_92, %dma_start3A_104, %and3A_94, %dma_start3A_105, %dma_start3A_106] : memref<50x8x128x8x128xf32, #tpu.memory_space<hbm>> -> memref<1x8x1x8x128xf32, #tpu.memory_space<hbm>>
    %dma_start3A_108 = tpu.memref_squeeze %dma_start3A_107 : memref<1x8x1x8x128xf32, #tpu.memory_space<hbm>> -> memref<8x8x128xf32, #tpu.memory_space<hbm>>
    %dma_start3A_109 = arith.constant 0 : i32
    %dma_start3A_110 = arith.constant 0 : i32
    %dma_start3A_111 = arith.constant 0 : i32
    %dma_start3A_112 = tpu.memref_slice %arg8[%dma_start3A_109, %dma_start3A_110, %dma_start3A_111] : memref<8x8x136xf32, #tpu.memory_space<vmem>> -> memref<8x8x128xf32, #tpu.memory_space<vmem>>
    tpu.enqueue_dma source(%dma_start3A_112 : memref<8x8x128xf32, #tpu.memory_space<vmem>>) target(%dma_start3A_108 : memref<8x8x128xf32, #tpu.memory_space<hbm>>) target_semaphore(%arg12 : memref<!tpu.dma_semaphore, #tpu.memory_space<semaphore_mem>>)
    %dma_wait3A_113 = arith.constant 25472 : i32
    %dma_wait3A_114 = tpu.memref_slice %arg5[%dma_wait3A_113] : memref<25600xi32, #tpu.memory_space<vmem>> -> memref<128xi32, #tpu.memory_space<vmem>>
    %dma_wait3A_115 = arith.constant 0 : i32
    %dma_wait3A_116 = arith.constant 0 : i32
    %dma_wait3A_117 = tpu.memref_slice %arg3[%dma_wait3A_115, %dma_wait3A_116] : memref<1000000x64xf32, #tpu.memory_space<hbm>> -> memref<1000000x64xf32, #tpu.memory_space<hbm>>
    tpu.wait_indirect_dma semaphore(%arg11 : memref<!tpu.dma_semaphore, #tpu.memory_space<semaphore_mem>>) src(%dma_wait3A_117 : memref<1000000x64xf32, #tpu.memory_space<hbm>>) dst(%arg7 : memref<128x64xf32, #tpu.memory_space<vmem>>)
    %add3A_118 = arith.constant 197 : i32
    %add3A_119 = arith.addi %mul3A_2, %add3A_118 : i32
    %shift_right_arithmetic3A_120 = arith.constant 7 : i32
    %shift_right_arithmetic3A_121 = arith.shrsi %add3A_119, %shift_right_arithmetic3A_120 : i32
    %and3A_122 = arith.constant 127 : i32
    %and3A_123 = arith.andi %add3A_119, %and3A_122 : i32
    %dma_wait3A_124 = arith.constant 0 : i32
    %dma_wait3A_125 = arith.constant 0 : i32
    %dma_wait3A_126 = arith.constant 0 : i32
    %dma_wait3A_127 = tpu.memref_slice %arg9[%dma_wait3A_124, %dma_wait3A_125, %dma_wait3A_126] : memref<8x8x136xf32, #tpu.memory_space<vmem>> -> memref<8x8x128xf32, #tpu.memory_space<vmem>>
    %dma_wait3A_128 = arith.constant 0 : i32
    %dma_wait3A_129 = arith.constant 0 : i32
    %dma_wait3A_130 = arith.constant 0 : i32
    %dma_wait3A_131 = tpu.memref_slice %arg4[%shift_right_arithmetic3A_121, %dma_wait3A_128, %and3A_123, %dma_wait3A_129, %dma_wait3A_130] : memref<50x8x128x8x128xf32, #tpu.memory_space<hbm>> -> memref<1x8x1x8x128xf32, #tpu.memory_space<hbm>>
    %dma_wait3A_132 = tpu.memref_squeeze %dma_wait3A_131 : memref<1x8x1x8x128xf32, #tpu.memory_space<hbm>> -> memref<8x8x128xf32, #tpu.memory_space<hbm>>
    %dma_wait3A_133 = arith.constant 0 : i32
    %dma_wait3A_134 = arith.constant 0 : i32
    %dma_wait3A_135 = arith.constant 0 : i32
    %dma_wait3A_136 = tpu.memref_slice %arg4[%shift_right_arithmetic3A_121, %dma_wait3A_133, %and3A_123, %dma_wait3A_134, %dma_wait3A_135] : memref<50x8x128x8x128xf32, #tpu.memory_space<hbm>> -> memref<1x8x1x8x128xf32, #tpu.memory_space<hbm>>
    %dma_wait3A_137 = tpu.memref_squeeze %dma_wait3A_136 : memref<1x8x1x8x128xf32, #tpu.memory_space<hbm>> -> memref<8x8x128xf32, #tpu.memory_space<hbm>>
    %dma_wait3A_138 = arith.constant 0 : i32
    %dma_wait3A_139 = arith.constant 0 : i32
    %dma_wait3A_140 = arith.constant 0 : i32
    %dma_wait3A_141 = tpu.memref_slice %arg9[%dma_wait3A_138, %dma_wait3A_139, %dma_wait3A_140] : memref<8x8x136xf32, #tpu.memory_space<vmem>> -> memref<8x8x128xf32, #tpu.memory_space<vmem>>
    tpu.wait_dma2 semaphore(%arg13 : memref<!tpu.dma_semaphore, #tpu.memory_space<semaphore_mem>>) src(%dma_wait3A_141 : memref<8x8x128xf32, #tpu.memory_space<vmem>>) dst(%dma_wait3A_137 : memref<8x8x128xf32, #tpu.memory_space<hbm>>)
    %broadcast_in_dim3A_142 = arith.constant 1 : i32
    %broadcast_in_dim3A_143 = vector.broadcast %broadcast_in_dim3A_142 : i32 to vector<16xi32>
    %broadcast_in_dim3A_144 = arith.constant 0 : i32
    %broadcast_in_dim3A_145 = vector.broadcast %broadcast_in_dim3A_144 : i32 to vector<16xi32>
    %scan3A_146 = arith.constant 0 : i32
    %scan3A_147 = arith.constant 32 : i32
    %scan3A_148 = arith.addi %scan3A_146, %scan3A_147 : i32
    %scan3A_149 = arith.constant 1 : i32
    %scan3A_150 = scf.for %scan3A_224 = %scan3A_146 to %scan3A_148 step %scan3A_149 iter_args(%scan3A_225 = %broadcast_in_dim3A_145) -> (vector<16xi32>)  : i32 {
      %mul3A_226 = arith.constant 4 : i32
      %mul3A_227 = arith.muli %mul3A_226, %scan3A_224 : i32
      %add3A_228 = arith.constant 0 : i32
      %add3A_229 = arith.addi %mul3A_227, %add3A_228 : i32
      %get3A = arith.index_cast %add3A_229 : i32 to index
      %get3A_230 = arith.constant 0 : index
      %get3A_231 = tpu.vector_load %arg7[%get3A, %get3A_230] {strides = array<i32>} : memref<128x64xf32, #tpu.memory_space<vmem>>, vector<16xf32>,
      tpu.vector_store_idx %arg9[%shift_right_logical3A_18, %and3A_29, %scan3A_225], %get3A_231 : memref<8x8x136xf32, #tpu.memory_space<vmem>>[vector<16xi32>, vector<16xi32>, vector<16xi32>], vector<16xf32>,
      %get3A_232 = arith.index_cast %add3A_229 : i32 to index
      %get3A_233 = arith.constant 16 : index
      %get3A_234 = tpu.vector_load %arg7[%get3A_232, %get3A_233] {strides = array<i32>} : memref<128x64xf32, #tpu.memory_space<vmem>>, vector<16xf32>,
      tpu.vector_store_idx %arg9[%shift_right_logical3A_21, %and3A_32, %scan3A_225], %get3A_234 : memref<8x8x136xf32, #tpu.memory_space<vmem>>[vector<16xi32>, vector<16xi32>, vector<16xi32>], vector<16xf32>,
      %get3A_235 = arith.index_cast %add3A_229 : i32 to index
      %get3A_236 = arith.constant 32 : index
      %get3A_237 = tpu.vector_load %arg7[%get3A_235, %get3A_236] {strides = array<i32>} : memref<128x64xf32, #tpu.memory_space<vmem>>, vector<16xf32>,
      tpu.vector_store_idx %arg9[%shift_right_logical3A_24, %and3A_35, %scan3A_225], %get3A_237 : memref<8x8x136xf32, #tpu.memory_space<vmem>>[vector<16xi32>, vector<16xi32>, vector<16xi32>], vector<16xf32>,
      %get3A_238 = arith.index_cast %add3A_229 : i32 to index
      %get3A_239 = arith.constant 48 : index
      %get3A_240 = tpu.vector_load %arg7[%get3A_238, %get3A_239] {strides = array<i32>} : memref<128x64xf32, #tpu.memory_space<vmem>>, vector<16xf32>,
      tpu.vector_store_idx %arg9[%shift_right_logical3A_27, %and3A_38, %scan3A_225], %get3A_240 : memref<8x8x136xf32, #tpu.memory_space<vmem>>[vector<16xi32>, vector<16xi32>, vector<16xi32>], vector<16xf32>,
      %add3A_241 = arith.addi %scan3A_225, %broadcast_in_dim3A_143 : vector<16xi32>
      %mul3A_242 = arith.constant 4 : i32
      %mul3A_243 = arith.muli %mul3A_242, %scan3A_224 : i32
      %add3A_244 = arith.constant 1 : i32
      %add3A_245 = arith.addi %mul3A_243, %add3A_244 : i32
      %get3A_246 = arith.index_cast %add3A_245 : i32 to index
      %get3A_247 = arith.constant 0 : index
      %get3A_248 = tpu.vector_load %arg7[%get3A_246, %get3A_247] {strides = array<i32>} : memref<128x64xf32, #tpu.memory_space<vmem>>, vector<16xf32>,
      tpu.vector_store_idx %arg9[%shift_right_logical3A_18, %and3A_29, %add3A_241], %get3A_248 : memref<8x8x136xf32, #tpu.memory_space<vmem>>[vector<16xi32>, vector<16xi32>, vector<16xi32>], vector<16xf32>,
      %get3A_249 = arith.index_cast %add3A_245 : i32 to index
      %get3A_250 = arith.constant 16 : index
      %get3A_251 = tpu.vector_load %arg7[%get3A_249, %get3A_250] {strides = array<i32>} : memref<128x64xf32, #tpu.memory_space<vmem>>, vector<16xf32>,
      tpu.vector_store_idx %arg9[%shift_right_logical3A_21, %and3A_32, %add3A_241], %get3A_251 : memref<8x8x136xf32, #tpu.memory_space<vmem>>[vector<16xi32>, vector<16xi32>, vector<16xi32>], vector<16xf32>,
      %get3A_252 = arith.index_cast %add3A_245 : i32 to index
      %get3A_253 = arith.constant 32 : index
      %get3A_254 = tpu.vector_load %arg7[%get3A_252, %get3A_253] {strides = array<i32>} : memref<128x64xf32, #tpu.memory_space<vmem>>, vector<16xf32>,
      tpu.vector_store_idx %arg9[%shift_right_logical3A_24, %and3A_35, %add3A_241], %get3A_254 : memref<8x8x136xf32, #tpu.memory_space<vmem>>[vector<16xi32>, vector<16xi32>, vector<16xi32>], vector<16xf32>,
      %get3A_255 = arith.index_cast %add3A_245 : i32 to index
      %get3A_256 = arith.constant 48 : index
      %get3A_257 = tpu.vector_load %arg7[%get3A_255, %get3A_256] {strides = array<i32>} : memref<128x64xf32, #tpu.memory_space<vmem>>, vector<16xf32>,
      tpu.vector_store_idx %arg9[%shift_right_logical3A_27, %and3A_38, %add3A_241], %get3A_257 : memref<8x8x136xf32, #tpu.memory_space<vmem>>[vector<16xi32>, vector<16xi32>, vector<16xi32>], vector<16xf32>,
      %add3A_258 = arith.addi %add3A_241, %broadcast_in_dim3A_143 : vector<16xi32>
      %mul3A_259 = arith.constant 4 : i32
      %mul3A_260 = arith.muli %mul3A_259, %scan3A_224 : i32
      %add3A_261 = arith.constant 2 : i32
      %add3A_262 = arith.addi %mul3A_260, %add3A_261 : i32
      %get3A_263 = arith.index_cast %add3A_262 : i32 to index
      %get3A_264 = arith.constant 0 : index
      %get3A_265 = tpu.vector_load %arg7[%get3A_263, %get3A_264] {strides = array<i32>} : memref<128x64xf32, #tpu.memory_space<vmem>>, vector<16xf32>,
      tpu.vector_store_idx %arg9[%shift_right_logical3A_18, %and3A_29, %add3A_258], %get3A_265 : memref<8x8x136xf32, #tpu.memory_space<vmem>>[vector<16xi32>, vector<16xi32>, vector<16xi32>], vector<16xf32>,
      %get3A_266 = arith.index_cast %add3A_262 : i32 to index
      %get3A_267 = arith.constant 16 : index
      %get3A_268 = tpu.vector_load %arg7[%get3A_266, %get3A_267] {strides = array<i32>} : memref<128x64xf32, #tpu.memory_space<vmem>>, vector<16xf32>,
      tpu.vector_store_idx %arg9[%shift_right_logical3A_21, %and3A_32, %add3A_258], %get3A_268 : memref<8x8x136xf32, #tpu.memory_space<vmem>>[vector<16xi32>, vector<16xi32>, vector<16xi32>], vector<16xf32>,
      %get3A_269 = arith.index_cast %add3A_262 : i32 to index
      %get3A_270 = arith.constant 32 : index
      %get3A_271 = tpu.vector_load %arg7[%get3A_269, %get3A_270] {strides = array<i32>} : memref<128x64xf32, #tpu.memory_space<vmem>>, vector<16xf32>,
      tpu.vector_store_idx %arg9[%shift_right_logical3A_24, %and3A_35, %add3A_258], %get3A_271 : memref<8x8x136xf32, #tpu.memory_space<vmem>>[vector<16xi32>, vector<16xi32>, vector<16xi32>], vector<16xf32>,
      %get3A_272 = arith.index_cast %add3A_262 : i32 to index
      %get3A_273 = arith.constant 48 : index
      %get3A_274 = tpu.vector_load %arg7[%get3A_272, %get3A_273] {strides = array<i32>} : memref<128x64xf32, #tpu.memory_space<vmem>>, vector<16xf32>,
      tpu.vector_store_idx %arg9[%shift_right_logical3A_27, %and3A_38, %add3A_258], %get3A_274 : memref<8x8x136xf32, #tpu.memory_space<vmem>>[vector<16xi32>, vector<16xi32>, vector<16xi32>], vector<16xf32>,
      %add3A_275 = arith.addi %add3A_258, %broadcast_in_dim3A_143 : vector<16xi32>
      %mul3A_276 = arith.constant 4 : i32
      %mul3A_277 = arith.muli %mul3A_276, %scan3A_224 : i32
      %add3A_278 = arith.constant 3 : i32
      %add3A_279 = arith.addi %mul3A_277, %add3A_278 : i32
      %get3A_280 = arith.index_cast %add3A_279 : i32 to index
      %get3A_281 = arith.constant 0 : index
      %get3A_282 = tpu.vector_load %arg7[%get3A_280, %get3A_281] {strides = array<i32>} : memref<128x64xf32, #tpu.memory_space<vmem>>, vector<16xf32>,
      tpu.vector_store_idx %arg9[%shift_right_logical3A_18, %and3A_29, %add3A_275], %get3A_282 : memref<8x8x136xf32, #tpu.memory_space<vmem>>[vector<16xi32>, vector<16xi32>, vector<16xi32>], vector<16xf32>,
      %get3A_283 = arith.index_cast %add3A_279 : i32 to index
      %get3A_284 = arith.constant 16 : index
      %get3A_285 = tpu.vector_load %arg7[%get3A_283, %get3A_284] {strides = array<i32>} : memref<128x64xf32, #tpu.memory_space<vmem>>, vector<16xf32>,
      tpu.vector_store_idx %arg9[%shift_right_logical3A_21, %and3A_32, %add3A_275], %get3A_285 : memref<8x8x136xf32, #tpu.memory_space<vmem>>[vector<16xi32>, vector<16xi32>, vector<16xi32>], vector<16xf32>,
      %get3A_286 = arith.index_cast %add3A_279 : i32 to index
      %get3A_287 = arith.constant 32 : index
      %get3A_288 = tpu.vector_load %arg7[%get3A_286, %get3A_287] {strides = array<i32>} : memref<128x64xf32, #tpu.memory_space<vmem>>, vector<16xf32>,
      tpu.vector_store_idx %arg9[%shift_right_logical3A_24, %and3A_35, %add3A_275], %get3A_288 : memref<8x8x136xf32, #tpu.memory_space<vmem>>[vector<16xi32>, vector<16xi32>, vector<16xi32>], vector<16xf32>,
      %get3A_289 = arith.index_cast %add3A_279 : i32 to index
      %get3A_290 = arith.constant 48 : index
      %get3A_291 = tpu.vector_load %arg7[%get3A_289, %get3A_290] {strides = array<i32>} : memref<128x64xf32, #tpu.memory_space<vmem>>, vector<16xf32>,
      tpu.vector_store_idx %arg9[%shift_right_logical3A_27, %and3A_38, %add3A_275], %get3A_291 : memref<8x8x136xf32, #tpu.memory_space<vmem>>[vector<16xi32>, vector<16xi32>, vector<16xi32>], vector<16xf32>,
      %add3A_292 = arith.addi %add3A_275, %broadcast_in_dim3A_143 : vector<16xi32>
      scf.yield %add3A_292 : vector<16xi32>
    }
    %scan3A_151 = arith.constant 32 : i32
    %add3A_152 = arith.constant 199 : i32
    %add3A_153 = arith.addi %mul3A_2, %add3A_152 : i32
    %shift_right_arithmetic3A_154 = arith.constant 7 : i32
    %shift_right_arithmetic3A_155 = arith.shrsi %add3A_153, %shift_right_arithmetic3A_154 : i32
    %and3A_156 = arith.constant 127 : i32
    %and3A_157 = arith.andi %add3A_153, %and3A_156 : i32
    %dma_start3A_158 = arith.constant 0 : i32
    %dma_start3A_159 = arith.constant 0 : i32
    %dma_start3A_160 = arith.constant 0 : i32
    %dma_start3A_161 = tpu.memref_slice %arg9[%dma_start3A_158, %dma_start3A_159, %dma_start3A_160] : memref<8x8x136xf32, #tpu.memory_space<vmem>> -> memref<8x8x128xf32, #tpu.memory_space<vmem>>
    %dma_start3A_162 = arith.constant 0 : i32
    %dma_start3A_163 = arith.constant 0 : i32
    %dma_start3A_164 = arith.constant 0 : i32
    %dma_start3A_165 = tpu.memref_slice %arg4[%shift_right_arithmetic3A_155, %dma_start3A_162, %and3A_157, %dma_start3A_163, %dma_start3A_164] : memref<50x8x128x8x128xf32, #tpu.memory_space<hbm>> -> memref<1x8x1x8x128xf32, #tpu.memory_space<hbm>>
    %dma_start3A_166 = tpu.memref_squeeze %dma_start3A_165 : memref<1x8x1x8x128xf32, #tpu.memory_space<hbm>> -> memref<8x8x128xf32, #tpu.memory_space<hbm>>
    %dma_start3A_167 = arith.constant 0 : i32
    %dma_start3A_168 = arith.constant 0 : i32
    %dma_start3A_169 = arith.constant 0 : i32
    %dma_start3A_170 = tpu.memref_slice %arg4[%shift_right_arithmetic3A_155, %dma_start3A_167, %and3A_157, %dma_start3A_168, %dma_start3A_169] : memref<50x8x128x8x128xf32, #tpu.memory_space<hbm>> -> memref<1x8x1x8x128xf32, #tpu.memory_space<hbm>>
    %dma_start3A_171 = tpu.memref_squeeze %dma_start3A_170 : memref<1x8x1x8x128xf32, #tpu.memory_space<hbm>> -> memref<8x8x128xf32, #tpu.memory_space<hbm>>
    %dma_start3A_172 = arith.constant 0 : i32
    %dma_start3A_173 = arith.constant 0 : i32
    %dma_start3A_174 = arith.constant 0 : i32
    %dma_start3A_175 = tpu.memref_slice %arg9[%dma_start3A_172, %dma_start3A_173, %dma_start3A_174] : memref<8x8x136xf32, #tpu.memory_space<vmem>> -> memref<8x8x128xf32, #tpu.memory_space<vmem>>
    tpu.enqueue_dma source(%dma_start3A_175 : memref<8x8x128xf32, #tpu.memory_space<vmem>>) target(%dma_start3A_171 : memref<8x8x128xf32, #tpu.memory_space<hbm>>) target_semaphore(%arg13 : memref<!tpu.dma_semaphore, #tpu.memory_space<semaphore_mem>>)
    %add3A_176 = arith.constant 198 : i32
    %add3A_177 = arith.addi %mul3A_2, %add3A_176 : i32
    %shift_right_arithmetic3A_178 = arith.constant 7 : i32
    %shift_right_arithmetic3A_179 = arith.shrsi %add3A_177, %shift_right_arithmetic3A_178 : i32
    %and3A_180 = arith.constant 127 : i32
    %and3A_181 = arith.andi %add3A_177, %and3A_180 : i32
    %dma_wait3A_182 = arith.constant 0 : i32
    %dma_wait3A_183 = arith.constant 0 : i32
    %dma_wait3A_184 = arith.constant 0 : i32
    %dma_wait3A_185 = tpu.memref_slice %arg8[%dma_wait3A_182, %dma_wait3A_183, %dma_wait3A_184] : memref<8x8x136xf32, #tpu.memory_space<vmem>> -> memref<8x8x128xf32, #tpu.memory_space<vmem>>
    %dma_wait3A_186 = arith.constant 0 : i32
    %dma_wait3A_187 = arith.constant 0 : i32
    %dma_wait3A_188 = arith.constant 0 : i32
    %dma_wait3A_189 = tpu.memref_slice %arg4[%shift_right_arithmetic3A_179, %dma_wait3A_186, %and3A_181, %dma_wait3A_187, %dma_wait3A_188] : memref<50x8x128x8x128xf32, #tpu.memory_space<hbm>> -> memref<1x8x1x8x128xf32, #tpu.memory_space<hbm>>
    %dma_wait3A_190 = tpu.memref_squeeze %dma_wait3A_189 : memref<1x8x1x8x128xf32, #tpu.memory_space<hbm>> -> memref<8x8x128xf32, #tpu.memory_space<hbm>>
    %dma_wait3A_191 = arith.constant 0 : i32
    %dma_wait3A_192 = arith.constant 0 : i32
    %dma_wait3A_193 = arith.constant 0 : i32
    %dma_wait3A_194 = tpu.memref_slice %arg4[%shift_right_arithmetic3A_179, %dma_wait3A_191, %and3A_181, %dma_wait3A_192, %dma_wait3A_193] : memref<50x8x128x8x128xf32, #tpu.memory_space<hbm>> -> memref<1x8x1x8x128xf32, #tpu.memory_space<hbm>>
    %dma_wait3A_195 = tpu.memref_squeeze %dma_wait3A_194 : memref<1x8x1x8x128xf32, #tpu.memory_space<hbm>> -> memref<8x8x128xf32, #tpu.memory_space<hbm>>
    %dma_wait3A_196 = arith.constant 0 : i32
    %dma_wait3A_197 = arith.constant 0 : i32
    %dma_wait3A_198 = arith.constant 0 : i32
    %dma_wait3A_199 = tpu.memref_slice %arg8[%dma_wait3A_196, %dma_wait3A_197, %dma_wait3A_198] : memref<8x8x136xf32, #tpu.memory_space<vmem>> -> memref<8x8x128xf32, #tpu.memory_space<vmem>>
    tpu.wait_dma2 semaphore(%arg12 : memref<!tpu.dma_semaphore, #tpu.memory_space<semaphore_mem>>) src(%dma_wait3A_199 : memref<8x8x128xf32, #tpu.memory_space<vmem>>) dst(%dma_wait3A_195 : memref<8x8x128xf32, #tpu.memory_space<hbm>>)
    %add3A_200 = arith.constant 199 : i32
    %add3A_201 = arith.addi %mul3A_2, %add3A_200 : i32
    %shift_right_arithmetic3A_202 = arith.constant 7 : i32
    %shift_right_arithmetic3A_203 = arith.shrsi %add3A_201, %shift_right_arithmetic3A_202 : i32
    %and3A_204 = arith.constant 127 : i32
    %and3A_205 = arith.andi %add3A_201, %and3A_204 : i32
    %dma_wait3A_206 = arith.constant 0 : i32
    %dma_wait3A_207 = arith.constant 0 : i32
    %dma_wait3A_208 = arith.constant 0 : i32
    %dma_wait3A_209 = tpu.memref_slice %arg9[%dma_wait3A_206, %dma_wait3A_207, %dma_wait3A_208] : memref<8x8x136xf32, #tpu.memory_space<vmem>> -> memref<8x8x128xf32, #tpu.memory_space<vmem>>
    %dma_wait3A_210 = arith.constant 0 : i32
    %dma_wait3A_211 = arith.constant 0 : i32
    %dma_wait3A_212 = arith.constant 0 : i32
    %dma_wait3A_213 = tpu.memref_slice %arg4[%shift_right_arithmetic3A_203, %dma_wait3A_210, %and3A_205, %dma_wait3A_211, %dma_wait3A_212] : memref<50x8x128x8x128xf32, #tpu.memory_space<hbm>> -> memref<1x8x1x8x128xf32, #tpu.memory_space<hbm>>
    %dma_wait3A_214 = tpu.memref_squeeze %dma_wait3A_213 : memref<1x8x1x8x128xf32, #tpu.memory_space<hbm>> -> memref<8x8x128xf32, #tpu.memory_space<hbm>>
    %dma_wait3A_215 = arith.constant 0 : i32
    %dma_wait3A_216 = arith.constant 0 : i32
    %dma_wait3A_217 = arith.constant 0 : i32
    %dma_wait3A_218 = tpu.memref_slice %arg4[%shift_right_arithmetic3A_203, %dma_wait3A_215, %and3A_205, %dma_wait3A_216, %dma_wait3A_217] : memref<50x8x128x8x128xf32, #tpu.memory_space<hbm>> -> memref<1x8x1x8x128xf32, #tpu.memory_space<hbm>>
    %dma_wait3A_219 = tpu.memref_squeeze %dma_wait3A_218 : memref<1x8x1x8x128xf32, #tpu.memory_space<hbm>> -> memref<8x8x128xf32, #tpu.memory_space<hbm>>
    %dma_wait3A_220 = arith.constant 0 : i32
    %dma_wait3A_221 = arith.constant 0 : i32
    %dma_wait3A_222 = arith.constant 0 : i32
    %dma_wait3A_223 = tpu.memref_slice %arg9[%dma_wait3A_220, %dma_wait3A_221, %dma_wait3A_222] : memref<8x8x136xf32, #tpu.memory_space<vmem>> -> memref<8x8x128xf32, #tpu.memory_space<vmem>>
    tpu.wait_dma2 semaphore(%arg13 : memref<!tpu.dma_semaphore, #tpu.memory_space<semaphore_mem>>) src(%dma_wait3A_223 : memref<8x8x128xf32, #tpu.memory_space<vmem>>) dst(%dma_wait3A_219 : memref<8x8x128xf32, #tpu.memory_space<hbm>>)
    return
  }
}

</mosaic_0001>

<sc_bundles>
// kernel: kernel.3.cloned.1.call-start
scs
__scs_entry_jumppad:
0x0: {  	(pc) =	sbr.rel $0x88, $3  }
0x1: {  	(tag) =	ssettag $0x0;
	lr =	simm.s32 $0x1  }
0x2: {  	[smem:$0x3F9F] =	sst lr;
	_ =	strace $0xD0000000  }
0x3: {  	_ = 	snop  }
0x4: {  	_ = 	snop  }
0x5: {  	_ = 	snop  }
0x6: {  	_ = 	snop  }
0x7: {  	_ = 	snop  }
__scs_overlays_trampoline_lowered:
0x8: {  	[smem:$0x3FAE] =	sst s0  }
0x9: {  	[smem:$0x3FAF] =	sst s1  }
0xa: {  	[smem:$0x3FB0] =	sst s2  }
0xb: {  	[smem:$0x3FB1] =	sst s3  }
0xc: {  	[smem:$0x3FB2] =	sst s4  }
0xd: {  	[smem:$0x3FB3] =	sst s5  }
0xe: {  	[smem:$0x3FB4] =	sst s6  }
0xf: {  	[smem:$0x3FB5] =	sst s7  }
0x10: {  	[smem:$0x3FB6] =	sst s8  }
0x11: {  	[smem:$0x3FB7] =	sst s9;
	s0 =	simm.s32 @!p0 $0x0  }
0x12: {  	s1 =	sld [smem:$0x3F9D];
	s0 =	simm.s32 @p0 $0x1  }
0x13: {  	[smem:$0x3FB8] =	sst s0;
	s0 =	simm.s32 @!p1 $0x0  }
0x14: {  	s2 =	sld [smem:$0x3F9C];
	s0 =	simm.s32 @p1 $0x1  }
0x15: {  	[smem:$0x3FB9] =	sst s0;
	s0 =	simm.s32 @!p2 $0x0  }
0x16: {  	s3 =	sld [smem:$0x3FDB];
	s0 =	simm.s32 @p2 $0x1  }
0x17: {  	s4 =	simm.s32 $0x1BF5;
	[smem:$0x3FBB] =	sst s0  }
0x18: {  	s0 =	sld [smem:$0x3F9E];
	_ =	swait.ge [sflag:s4], $0x0  }
0x19: {  	s7 =	sld [smem:$0x3F9F]  }
0x1a: {  	s8 =	sadd.s32 $0xFFFFE003, lr  }
0x1b: {  	s9 =	sadd.s32 $0xFFFFFEF7, lr;
	s5 =	simm.s32 $0xFFFFFFFF;
	p2 =	slt.u32 s8, $0xFFFFF086  }
0x1c: {  	p1 =	slt.u32 s9, $0xF7A;
	s5 =	simm.s32 @!p2 $0x0  }
0x1d: {  	s5 =	simm.s32 @p1 $0x1;
	p0 =	seq.s32 s7, s2  }
0x1e: {  	s7 =	smul.u32 @!p0 $0xF7A, s2;
	p2 =	seq.s32 @!p0 s5, $0x0  }
0x1f: {  	s9 =	smul.u32 $0xF7A, s1;
	s8 =	simm.s32 @!p0 $0x1BF5;
	p2 =	por !p2, p0  }
0x20: {  	[sflag:s8] =	ssyncset.s32 @!p0 $0xFFFFF086;
	s6 =	sadd.s32 @!p0 s3, s7;
	s7 =	simm.s32 @!p0 $0x108  }
0x21: {  	s3 =	sadd.s32 s3, s9;
	s6 =	sadd.s32 @!p0 $0x88, s6;
	s7 =	simm.s32 @p2 $0x1082  }
0x22: {  	[simem:s7], [sflag:s8] =	dma.local @!p0 [hbm:s6], $0xF7A  }
0x23: {  	s9 =	sor.u32 $0xD0000000, s2;
	s6 =	simm.s32 $0x108;
	_ =	swait.ge @!p0 [sflag:s8], $0x0  }
0x24: {  	s3 =	sadd.s32 $0x88, s3;
	s6 =	simm.s32 @!p1 $0x1082;
	[sflag:s4] =	ssyncset.s32 $0xFFFFF086  }
0x25: {  	[simem:s6], [sflag:s4] =	dma.local [hbm:s3], $0xF7A  }
0x26: {  	[smem:$0x3F9F] =	sst s1;
	(tag) =	ssettag s2;
	_ =	strace s9  }
0x27: {  	s1 =	sld [smem:$0x3FAF]  }
0x28: {  	s2 =	sld [smem:$0x3FB0]  }
0x29: {  	s4 =	sld [smem:$0x3FB2]  }
0x2a: {  	p0 =	seq.s32 s5, $0x0;
	s5 =	sld [smem:$0x3FB3]  }
0x2b: {  	s6 =	sld [smem:$0x3FB4]  }
0x2c: {  	s7 =	sld [smem:$0x3FB5]  }
0x2d: {  	s3 =	simm.s32 $0x108;
	s8 =	sld [smem:$0x3FB6]  }
0x2e: {  	s3 =	simm.s32 @!p0 $0x1082;
	s9 =	sld [smem:$0x3FB7]  }
0x2f: {  	lr =	sadd.s32 s0, s3;
	s0 =	sld [smem:$0x3FAE]  }
0x30: {  	s3 =	sld [smem:$0x3FB1]  }
0x31: {  	[smem:$0x3FBA] =	sst s10  }
0x32: {  	s10 =	sld [smem:$0x3FB8];
	_ =	sdelay $0x3  }
0x33: {  	p0 =	seq.s32 s10, $0x1;
	s10 =	sld [smem:$0x3FBA];
	_ =	sdelay $0x3  }
0x34: {  	[smem:$0x3FBA] =	sst s10  }
0x35: {  	s10 =	sld [smem:$0x3FB9];
	_ =	sdelay $0x3  }
0x36: {  	p1 =	seq.s32 s10, $0x1;
	s10 =	sld [smem:$0x3FBA];
	_ =	sdelay $0x3  }
0x37: {  	[smem:$0x3FBA] =	sst s10  }
0x38: {  	s10 =	sld [smem:$0x3FBB]  }
0x39: {  	_ = 	snop;
	(pc) =	sbr.ind lr, $3  }
0x3a: {  	_ = 	snop  }
0x3b: {  	_ = 	snop  }
0x3c: {  	p2 =	seq.s32 s10, $0x1;
	s10 =	sld [smem:$0x3FBA]  }
0x3d: {  	_ =	shalt  }
0x3e: {  	_ =	shalt  }
0x3f: {  	_ =	shalt  }
0x40: {  	_ =	shalt  }
0x41: {  	_ =	shalt  }
0x42: {  	_ =	shalt  }
0x43: {  	_ =	shalt  }
0x44: {  	_ =	shalt  }
0x45: {  	_ =	shalt  }
0x46: {  	_ =	shalt  }
0x47: {  	_ =	shalt  }
0x48: {  	_ =	shalt  }
0x49: {  	_ =	shalt  }
0x4a: {  	_ =	shalt  }
0x4b: {  	_ =	shalt  }
0x4c: {  	_ =	shalt  }
0x4d: {  	_ =	shalt  }
0x4e: {  	_ =	shalt  }
0x4f: {  	_ =	shalt  }
0x50: {  	_ =	shalt  }
0x51: {  	_ =	shalt  }
0x52: {  	_ =	shalt  }
0x53: {  	_ =	shalt  }
0x54: {  	_ =	shalt  }
0x55: {  	_ =	shalt  }
0x56: {  	_ =	shalt  }
0x57: {  	_ =	shalt  }
0x58: {  	_ =	shalt  }
0x59: {  	_ =	shalt  }
0x5a: {  	_ =	shalt  }
0x5b: {  	_ =	shalt  }
0x5c: {  	_ =	shalt  }
0x5d: {  	_ =	shalt  }
0x5e: {  	_ =	shalt  }
0x5f: {  	_ =	shalt  }
0x60: {  	_ =	shalt  }
0x61: {  	_ =	shalt  }
0x62: {  	_ =	shalt  }
0x63: {  	_ =	shalt  }
0x64: {  	_ =	shalt  }
0x65: {  	_ =	shalt  }
0x66: {  	_ =	shalt  }
0x67: {  	_ =	shalt  }
0x68: {  	_ =	shalt  }
0x69: {  	_ =	shalt  }
0x6a: {  	_ =	shalt  }
0x6b: {  	_ =	shalt  }
0x6c: {  	_ =	shalt  }
0x6d: {  	_ =	shalt  }
0x6e: {  	_ =	shalt  }
0x6f: {  	_ =	shalt  }
0x70: {  	_ =	shalt  }
0x71: {  	_ =	shalt  }
0x72: {  	_ =	shalt  }
0x73: {  	_ =	shalt  }
0x74: {  	_ =	shalt  }
0x75: {  	_ =	shalt  }
0x76: {  	_ =	shalt  }
0x77: {  	_ =	shalt  }
0x78: {  	_ =	shalt  }
0x79: {  	_ =	shalt  }
0x7a: {  	_ =	shalt  }
0x7b: {  	_ =	shalt  }
0x7c: {  	_ =	shalt  }
0x7d: {  	_ =	shalt  }
0x7e: {  	_ =	shalt  }
0x7f: {  	_ =	shalt  }
0x80: {  	_ =	shalt  }
0x81: {  	_ =	shalt  }
0x82: {  	_ =	shalt  }
0x83: {  	_ =	shalt  }
0x84: {  	_ =	shalt  }
0x85: {  	_ =	shalt  }
0x86: {  	_ =	shalt  }
0x87: {  	_ =	shalt  }
.Lfunc_end0:
.L_simem_size_0:
called_computation_lowered:
.L_overlay_start_0:
0x88: {  	s2 =	sld [smem:$0x3FD9]  }
0x89: {  	s3 =	sld [smem:$0x3FFE];
	_ =	sdelay $0x1  }
0x8a: {  	s1 =	srdreg.scid  }
0x8b: {  	s0 =	sand.u32 $0x1, s1  }
0x8c: {  	s17 =	sshll.u32 s0, $0xA;
	s2 =	sadd.s32 s3, s2  }
0x8d: {  	s2 =	sadd.s32 s2, s17  }
0x8e: {  	[smem:$0x3FC6] =	sst s2  }
0x8f: {  	_ = 	snop  }
0x90: {  	s2 =	sld [smem:$0x3FD0];
	(tm) =	ssettm $0x1  }
0x91: {  	s18 =	sld [smem:$0x3FFB];
	_ =	sdelay $0x3  }
0x92: {  	_ =	strace s18  }
0x93: {  	s3 =	sld [smem:$0x3FFC];
	_ =	sdelay $0x3  }
0x94: {  	_ =	strace s3  }
0x95: {  	s3 =	sld [smem:$0x3FFD];
	_ =	sdelay $0x3  }
0x96: {  	_ =	strace s3  }
0x97: {  	_ =	strace $0x8FFFFFFF  }
0x98: {  	s19 =	sld [smem:$0x3FDB];
	_ =	sdelay $0x1  }
0x99: {  	s4 =	simm.s32 $_scs_section_size  }
0x9a: {  	s5 =	simm.s32 $_size__tile_overlayer_lowered;
	s6 =	simm.s32 $_tile_overlayer_lowered  }
0x9b: {  	s22 =	simm.s32 $0x1BFF;
	s21 =	sshll.u32 s6, $0x1;
	s3 =	sadd.s32 s4, s19  }
0x9c: {  	s7 =	simm.s32 $0x0;
	s20 =	sshll.u32 s5, $0x1;
	s5 =	sadd.s32 s21, s3  }
0x9d: {  	[timem:s7], [sflag:s22] =	dma.local [hbm:s5], s20  }
0x9e: {  	_ =	swait.ge [sflag:s22], s20  }
0x9f: {  	s4 =	ssub.s32 $0x0, s20;
	[sflag:s22] =	ssyncset.done $0x0  }
0xa0: {  	[sflag:s22] =	ssyncadd.s32 s4;
	_ =	sdelay $0x1  }
0xa1: {  	s23 =	simm.s32 $0x1B8B  }
0xa2: {  	_ =	swait.ge [sflag:s23], $0x1  }
0xa3: {  	[sflag:s23] =	ssyncset.done $0x0  }
0xa4: {  	s25 =	simm.s32 $0x1B8E;
	s24 =	sld [smem:$0x3FFE];
	[sflag:s23] =	ssyncadd.s32 $0xFFFFFFFF  }
0xa5: {  	s26 =	simm.s32 $execute0_lowered;
	[smem:$0x3FD2] =	sst s25  }
0xa6: {  	s5 =	sshll.u32 s26, $0x1;
	_ =	strace $0x80000046;
	[dreg:$0x1] =	wrdreg $0xFFFFFFFF  }
0xa7: {  	s28 =	simm.s32 $_size_execute0_lowered;
	s3 =	sadd.s32 s3, s5;
	[dreg:$0x0] =	wrdreg $0x0  }
0xa8: {  	s5 =	sshll.u32 s28, $0x1;
	[dreg:$0x2] =	wrdreg s3  }
0xa9: {  	[dreg:$0x3] =	wrdreg s5  }
0xaa: {  	[dreg:$0x4] =	wrdreg $0xC0  }
0xab: {  	_ =	task [dreg:s7], $0x5FFFF  }
0xac: {  	[dreg:$0x1] =	wrdreg $0xFFFFFFFF  }
0xad: {  	[dreg:$0x0] =	wrdreg $0x60  }
0xae: {  	[dreg:$0x2] =	wrdreg s24  }
0xaf: {  	[dreg:$0x3] =	wrdreg s2  }
0xb0: {  	[dreg:$0x4] =	wrdreg $0x9  }
0xb1: {  	_ =	task.clear_ibuf [dreg:s7], $0x5FFFF;
	_ =	strace $0x90000046  }
0xb2: {  	s29 =	simm.s32 $0x9;
	_ =	strace $0x80000048  }
0xb3: {  	_ =	swait.ge [sflag:s29], $0x1  }
0xb4: {  	[sflag:s29] =	ssyncadd.s32 $0xFFFFFFFF  }
0xb5: {  	_ =	strace $0x90000048  }
0xb6: {  	_ =	sfence  }
0xb7: {  	s30 =	sld [smem:$0x0];
	_ =	sdelay $0x2  }
0xb8: {  	s31 =	sshll.u32 s1, $0xD;
	s1 =	sshrl.u32 s1, $0x2  }
0xb9: {  	s3 =	sand.u32 $0x4000, s31;
	s1 =	sadd.s32 s1, s30  }
0xba: {  	s0 =	sor.u32 s3, s0;
	s1 =	sshll.u32 s1, $0x11  }
0xbb: {  	s0 =	sor.u32 s1, s0  }
0xbc: {  	s0 =	sadd.s32 $0x8F2B, s0  }
0xbd: {  	[sflag:s0] =	ssyncadd.remote.s32 $0x1  }
0xbe: {  	_ =	sfence.sel $0xFFFF  }
0xbf: {  	[dreg:$0x0] =	wrdreg $0xFFFFFFFF;
	(pc) =	sbr.abs _section_cstart, $3  }
0xc0: {  	[dreg:$0x1] =	wrdreg $0xFFFFFFFF  }
0xc1: {  	_ =	task.clear_ibuf [dreg:s7], $0x2FFFF;
	_ =	strace $0x9FFFFFFF  }
0xc2: {  	(tm) =	ssettm $0x7FFFFFFF  }
0xc3: {  	_ =	shalt  }
tec
execute0_lowered:
.L_overlay_start_1:
0x0: {  	(tag) =	ssettag $0x1  }
0x1: {  	s1 =	srdreg.scid  }
0x2: {  	s0 =	stileid.u32;
	s5 =	rddreg [dreg:$0x0]  }
0x3: {  	s2 =	rddreg [dreg:$0x1];
	s3 =	simm.s32 $0x0;
	s13 =	simm.s32 $0x8400  }
0x4: {  	s14 =	simm.s32 $0x1;
	s15 =	simm.s32 $0xA400;
	s16 =	simm.s32 $0x2  }
0x5: {  	s17 =	simm.s32 $0xC600;
	s6 =	sand.u32 $0x1, s1;
	s26 =	sshll.u32 s0, $0x1  }
0x6: {  	s18 =	simm.s32 $0x3;
	s19 =	simm.s32 $0x4;
	s4 =	sor.u32 s6, s26  }
0x7: {  	s20 =	simm.s32 $0x0;
	s6 =	ssub.s32 $0x2, s6;
	s7 =	smul.u32 $0xC80, s4  }
0x8: {  	[smem:$0x7FF] =	sst s3;
	s4 =	smul.u32 $0xC8, s4;
	s8 =	sshrl.u32 s6, $0x1  }
0x9: {  	s1 =	rddreg [dreg:$0x2];
	_ =	strace $0x80000047;
	s10 =	ssub.s32 s6, s8  }
0xa: {  	s7 =	sadd.s32 s7, s5;
	s5 =	sadd.s32 $0xF42A00, s5;
	s9 =	sadd.s32 $0xC6, s4  }
0xb: {  	s29 =	sadd.s32 $0xC7, s4;
	s28 =	sshll.u32 s9, $0xA;
	s30 =	sshll.u32 s9, $0x7  }
0xc: {  	s31 =	sshll.u32 s29, $0x7;
	s8 =	sshll.u32 s29, $0xA;
	s11 =	sand.u32 $0xFE0000, s28  }
0xd: {  	v0 =	vlaneseq.u32;
	s6 =	sand.u32 $0x3F00, s30;
	s9 =	sand.u32 $0x3F80, s31;
	s8 =	sand.u32 $0xFE0000, s8  }
0xe: {  	v0 =	vmul.u32 $0x88, v0;
	s12 =	sadd.s32 s2, s6;
	s9 =	sadd.s32 s2, s9;
	s6 =	sadd.s32 $0x600, s7  }
0xf: {  	s7 =	sadd.s32 s11, s12;
	s8 =	sadd.s32 s8, s9;
	s9 =	smax.u32 s10, $0x1  }
0x10: {  	v1 =	vadd.s32 $0x880, v0;
	v2 =	vadd.s32 $0x1100, v0;
	v3 =	vadd.s32 $0x1980, v0;
	s10 =	simm.s32 $0x5;
	s11 =	simm.s32 $0x80;
	s12 =	simm.s32 $0x6400  }
.LBB2_1:
0x11: {  	[tilespmem:s3], [sflag:$0x5] =	stream.linear.gather [hbm4b:s6+s3], $0x6400, $0x38;
	[tilespmem:$0xE800] =	vst v63  }
0x12: {  	_ =	swait.ge [sflag:s10], $0x6400  }
0x13: {  	[sflag:s10] =	ssyncset.done $0x0  }
0x14: {  	[sflag:s10] =	ssyncadd.s32 $0xFFFF9C00  }
0x15: {  	[tilespmem:s12], [sflag:$0x1] =	stream.indirect.gather [hbm4b:s5+s11], $0x40, s3, s11, $0xb8;
	[tilespmem:$0xE800] =	vst v63  }
0x16: {  	s21 =	simm.s32 $0x0  }
0x17: {  	[tilespmem:s13], [sflag:$0x2] =	stream.indirect.gather [hbm4b:s5+s11], $0x40, s11, s11, $0xb8;
	[tilespmem:$0xE800] =	vst v63  }
.LBB2_2:
0x18: {  	_ =	swait.ge [sflag:s14], $0x2000  }
0x19: {  	p0 =	seq.s32 s21, $0x0;
	[sflag:s14] =	ssyncset.done $0x0  }
0x1a: {  	s22 =	simm.s32 @!p0 $0x3;
	[sflag:s14] =	ssyncadd.s32 $0xFFFFE000  }
0x1b: {  	v4 =	vimm.s32 $0x0;
	_ =	swait.ge @!p0 [sflag:s22], $0x2000  }
0x1c: {  	v5 =	vand.u32 $0xFFFFFFF8, v4;
	[sflag:s22] =	ssyncset.done @!p0 $0x0  }
0x1d: {  	s24 =	simm.s32 $0x0;
	v6 =	vand.u32 $0x4, v4;
	v7 =	vadd.s32 v0, v5;
	[sflag:s22] =	ssyncadd.s32 @!p0 $0xFFFFE000  }
0x1e: {  	v9 =	vor.u32 v6, v7;
	v8 =	vld [tilespmem:s24+$0x6400];
	_ =	sdelay $0x4  }
0x1f: {  	[tilespmem:v9+s15+$0x0] =	vst.idx.msk $0xffff, v8;
	v8 =	vadd.s32 v1, v5  }
0x20: {  	v9 =	vld [tilespmem:s24+$0x6410];
	v10 =	vor.u32 v6, v8;
	_ =	sdelay $0x4  }
0x21: {  	v54 =	vadd.s32 v2, v5;
	[tilespmem:v10+s15+$0x0] =	vst.idx.msk $0xffff, v9  }
0x22: {  	v11 =	vor.u32 v6, v54;
	v10 =	vld [tilespmem:s24+$0x6420];
	_ =	sdelay $0x4  }
0x23: {  	v5 =	vadd.s32 v3, v5;
	[tilespmem:v11+s15+$0x0] =	vst.idx.msk $0xffff, v10  }
0x24: {  	v55 =	vor.u32 v6, v5;
	v10 =	vld [tilespmem:s24+$0x6430];
	_ =	sdelay $0x4  }
0x25: {  	v56 =	vor.u32 $0x1, v6;
	[tilespmem:v55+s15+$0x0] =	vst.idx.msk $0xffff, v10  }
0x26: {  	v12 =	vor.u32 v56, v7;
	v11 =	vld [tilespmem:s24+$0x6440];
	_ =	sdelay $0x4  }
0x27: {  	[tilespmem:v12+s15+$0x0] =	vst.idx.msk $0xffff, v11  }
0x28: {  	v57 =	vor.u32 v56, v8;
	v11 =	vld [tilespmem:s24+$0x6450];
	_ =	sdelay $0x4  }
0x29: {  	[tilespmem:v57+s15+$0x0] =	vst.idx.msk $0xffff, v11  }
0x2a: {  	v58 =	vor.u32 v56, v54;
	v11 =	vld [tilespmem:s24+$0x6460];
	_ =	sdelay $0x4  }
0x2b: {  	[tilespmem:v58+s15+$0x0] =	vst.idx.msk $0xffff, v11  }
0x2c: {  	v10 =	vor.u32 v56, v5;
	v11 =	vld [tilespmem:s24+$0x6470];
	_ =	sdelay $0x4  }
0x2d: {  	v59 =	vor.u32 $0x2, v6;
	[tilespmem:v10+s15+$0x0] =	vst.idx.msk $0xffff, v11  }
0x2e: {  	v60 =	vor.u32 v59, v7;
	v11 =	vld [tilespmem:s24+$0x6480];
	_ =	sdelay $0x4  }
0x2f: {  	[tilespmem:v60+s15+$0x0] =	vst.idx.msk $0xffff, v11  }
0x30: {  	v61 =	vor.u32 v59, v8;
	v11 =	vld [tilespmem:s24+$0x6490];
	_ =	sdelay $0x4  }
0x31: {  	[tilespmem:v61+s15+$0x0] =	vst.idx.msk $0xffff, v11  }
0x32: {  	v62 =	vor.u32 v59, v54;
	v11 =	vld [tilespmem:s24+$0x64A0];
	_ =	sdelay $0x4  }
0x33: {  	[tilespmem:v62+s15+$0x0] =	vst.idx.msk $0xffff, v11  }
0x34: {  	v10 =	vor.u32 v59, v5;
	v11 =	vld [tilespmem:s24+$0x64B0];
	_ =	sdelay $0x4  }
0x35: {  	v63 =	vor.u32 $0x3, v6;
	[tilespmem:v10+s15+$0x0] =	vst.idx.msk $0xffff, v11  }
0x36: {  	v7 =	vor.u32 v63, v7;
	v6 =	vld [tilespmem:s24+$0x64C0];
	_ =	sdelay $0x4  }
0x37: {  	[tilespmem:v7+s15+$0x0] =	vst.idx.msk $0xffff, v6  }
0x38: {  	v7 =	vor.u32 v63, v8;
	v6 =	vld [tilespmem:s24+$0x64D0];
	_ =	sdelay $0x4  }
0x39: {  	[tilespmem:v7+s15+$0x0] =	vst.idx.msk $0xffff, v6  }
0x3a: {  	v7 =	vor.u32 v63, v54;
	v6 =	vld [tilespmem:s24+$0x64E0];
	_ =	sdelay $0x4  }
0x3b: {  	[tilespmem:v7+s15+$0x0] =	vst.idx.msk $0xffff, v6  }
0x3c: {  	v7 =	vor.u32 v63, v5;
	v6 =	vld [tilespmem:s24+$0x64F0];
	_ =	sdelay $0x2  }
0x3d: {  	v4 =	vadd.s32 $0x4, v4  }
0x3e: {  	s23 =	simm.s32 $0x400;
	s22 =	sshll.u32 s21, $0x1;
	v5 =	vand.u32 $0xFFFFFFF8, v4;
	s24 =	simm.s32 $0x800  }
.LBB2_3:
0x3f: {  	p1 =	sne.s32 s24, $0x7C00;
	s25 =	sshra.s32 s23, $0x2;
	v8 =	vand.u32 $0x4, v4;
	v9 =	vadd.s32 v0, v5;
	[tilespmem:v7+s15+$0x0] =	vst.idx.msk $0xffff, v6;
	s23 =	smov.u32 s24  }
0x40: {  	v6 =	vld [tilespmem:s25+$0x6400];
	v7 =	vor.u32 v8, v9;
	_ =	sdelay $0x4  }
0x41: {  	[tilespmem:v7+s15+$0x0] =	vst.idx.msk $0xffff, v6;
	v6 =	vadd.s32 v1, v5  }
0x42: {  	v7 =	vld [tilespmem:s25+$0x6410];
	v10 =	vor.u32 v8, v6;
	_ =	sdelay $0x4  }
0x43: {  	[tilespmem:v10+s15+$0x0] =	vst.idx.msk $0xffff, v7;
	v7 =	vadd.s32 v2, v5  }
0x44: {  	v10 =	vld [tilespmem:s25+$0x6420];
	v11 =	vor.u32 v8, v7;
	_ =	sdelay $0x4  }
0x45: {  	v5 =	vadd.s32 v3, v5;
	[tilespmem:v11+s15+$0x0] =	vst.idx.msk $0xffff, v10  }
0x46: {  	v11 =	vor.u32 v8, v5;
	v10 =	vld [tilespmem:s25+$0x6430];
	_ =	sdelay $0x4  }
0x47: {  	[tilespmem:v11+s15+$0x0] =	vst.idx.msk $0xffff, v10;
	v10 =	vor.u32 $0x1, v8  }
0x48: {  	v11 =	vld [tilespmem:s25+$0x6440];
	v12 =	vor.u32 v10, v9;
	_ =	sdelay $0x4  }
0x49: {  	[tilespmem:v12+s15+$0x0] =	vst.idx.msk $0xffff, v11  }
0x4a: {  	v12 =	vor.u32 v10, v6;
	v11 =	vld [tilespmem:s25+$0x6450];
	_ =	sdelay $0x4  }
0x4b: {  	[tilespmem:v12+s15+$0x0] =	vst.idx.msk $0xffff, v11  }
0x4c: {  	v12 =	vor.u32 v10, v7;
	v11 =	vld [tilespmem:s25+$0x6460];
	_ =	sdelay $0x4  }
0x4d: {  	[tilespmem:v12+s15+$0x0] =	vst.idx.msk $0xffff, v11  }
0x4e: {  	v10 =	vor.u32 v10, v5;
	v11 =	vld [tilespmem:s25+$0x6470];
	_ =	sdelay $0x4  }
0x4f: {  	[tilespmem:v10+s15+$0x0] =	vst.idx.msk $0xffff, v11;
	v10 =	vor.u32 $0x2, v8  }
0x50: {  	v11 =	vld [tilespmem:s25+$0x6480];
	v12 =	vor.u32 v10, v9;
	_ =	sdelay $0x4  }
0x51: {  	[tilespmem:v12+s15+$0x0] =	vst.idx.msk $0xffff, v11  }
0x52: {  	v12 =	vor.u32 v10, v6;
	v11 =	vld [tilespmem:s25+$0x6490];
	_ =	sdelay $0x4  }
0x53: {  	[tilespmem:v12+s15+$0x0] =	vst.idx.msk $0xffff, v11  }
0x54: {  	v12 =	vor.u32 v10, v7;
	v11 =	vld [tilespmem:s25+$0x64A0];
	_ =	sdelay $0x4  }
0x55: {  	[tilespmem:v12+s15+$0x0] =	vst.idx.msk $0xffff, v11  }
0x56: {  	v10 =	vor.u32 v10, v5;
	v11 =	vld [tilespmem:s25+$0x64B0];
	_ =	sdelay $0x4  }
0x57: {  	v8 =	vor.u32 $0x3, v8;
	[tilespmem:v10+s15+$0x0] =	vst.idx.msk $0xffff, v11  }
0x58: {  	v9 =	vor.u32 v8, v9;
	v10 =	vld [tilespmem:s25+$0x64C0];
	_ =	sdelay $0x4  }
0x59: {  	[tilespmem:v9+s15+$0x0] =	vst.idx.msk $0xffff, v10  }
0x5a: {  	v6 =	vor.u32 v8, v6;
	v9 =	vld [tilespmem:s25+$0x64D0];
	_ =	sdelay $0x4  }
0x5b: {  	[tilespmem:v6+s15+$0x0] =	vst.idx.msk $0xffff, v9  }
0x5c: {  	v7 =	vor.u32 v8, v7;
	v6 =	vld [tilespmem:s25+$0x64E0];
	_ =	sdelay $0x4  }
0x5d: {  	[tilespmem:v7+s15+$0x0] =	vst.idx.msk $0xffff, v6  }
.Ltmp0:
0x5e: {  	v7 =	vor.u32 v8, v5;
	v6 =	vld [tilespmem:s25+$0x64F0];
	(pc) =	sbr.rel @p1 .LBB2_3-.Ltmp0, $3  }
0x5f: {  	_ =	sdelay $0x1  }
0x60: {  	v4 =	vadd.s32 $0x4, v4  }
0x61: {  	s24 =	sadd.s32 $0x400, s24;
	v5 =	vand.u32 $0xFFFFFFF8, v4  }
0x62: {  	_ =	sdelay $0x3  }
0x63: {  	s23 =	sshra.s32 s23, $0x2;
	v4 =	vand.u32 $0x4, v4;
	v8 =	vadd.s32 v0, v5;
	[tilespmem:v7+s15+$0x0] =	vst.idx.msk $0xffff, v6  }
0x64: {  	v6 =	vld [tilespmem:s23+$0x6400];
	v53 =	vor.u32 v4, v8;
	_ =	sdelay $0x4  }
0x65: {  	v54 =	vadd.s32 v1, v5;
	[tilespmem:v53+s15+$0x0] =	vst.idx.msk $0xffff, v6  }
0x66: {  	v9 =	vor.u32 v4, v54;
	v7 =	vld [tilespmem:s23+$0x6410];
	_ =	sdelay $0x4  }
0x67: {  	v55 =	vadd.s32 v2, v5;
	[tilespmem:v9+s15+$0x0] =	vst.idx.msk $0xffff, v7  }
0x68: {  	v10 =	vor.u32 v4, v55;
	v9 =	vld [tilespmem:s23+$0x6420];
	_ =	sdelay $0x4  }
0x69: {  	v5 =	vadd.s32 v3, v5;
	[tilespmem:v10+s15+$0x0] =	vst.idx.msk $0xffff, v9  }
0x6a: {  	v56 =	vor.u32 v4, v5;
	v9 =	vld [tilespmem:s23+$0x6430];
	_ =	sdelay $0x4  }
0x6b: {  	v57 =	vor.u32 $0x1, v4;
	[tilespmem:v56+s15+$0x0] =	vst.idx.msk $0xffff, v9  }
0x6c: {  	v11 =	vor.u32 v57, v8;
	v10 =	vld [tilespmem:s23+$0x6440];
	_ =	sdelay $0x4  }
0x6d: {  	[tilespmem:v11+s15+$0x0] =	vst.idx.msk $0xffff, v10  }
0x6e: {  	v58 =	vor.u32 v57, v54;
	v10 =	vld [tilespmem:s23+$0x6450];
	_ =	sdelay $0x4  }
0x6f: {  	[tilespmem:v58+s15+$0x0] =	vst.idx.msk $0xffff, v10  }
0x70: {  	v59 =	vor.u32 v57, v55;
	v10 =	vld [tilespmem:s23+$0x6460];
	_ =	sdelay $0x4  }
0x71: {  	[tilespmem:v59+s15+$0x0] =	vst.idx.msk $0xffff, v10  }
0x72: {  	v9 =	vor.u32 v57, v5;
	v10 =	vld [tilespmem:s23+$0x6470];
	_ =	sdelay $0x4  }
0x73: {  	v60 =	vor.u32 $0x2, v4;
	[tilespmem:v9+s15+$0x0] =	vst.idx.msk $0xffff, v10  }
0x74: {  	v61 =	vor.u32 v60, v8;
	v10 =	vld [tilespmem:s23+$0x6480];
	_ =	sdelay $0x4  }
0x75: {  	[tilespmem:v61+s15+$0x0] =	vst.idx.msk $0xffff, v10  }
0x76: {  	v62 =	vor.u32 v60, v54;
	v10 =	vld [tilespmem:s23+$0x6490];
	_ =	sdelay $0x4  }
0x77: {  	[tilespmem:v62+s15+$0x0] =	vst.idx.msk $0xffff, v10  }
0x78: {  	v63 =	vor.u32 v60, v55;
	v10 =	vld [tilespmem:s23+$0x64A0];
	_ =	sdelay $0x4  }
0x79: {  	[tilespmem:v63+s15+$0x0] =	vst.idx.msk $0xffff, v10  }
0x7a: {  	v9 =	vor.u32 v60, v5;
	v10 =	vld [tilespmem:s23+$0x64B0];
	_ =	sdelay $0x4  }
0x7b: {  	v4 =	vor.u32 $0x3, v4;
	[tilespmem:v9+s15+$0x0] =	vst.idx.msk $0xffff, v10  }
0x7c: {  	v8 =	vor.u32 v4, v8;
	v9 =	vld [tilespmem:s23+$0x64C0];
	_ =	sdelay $0x4  }
0x7d: {  	[tilespmem:v8+s15+$0x0] =	vst.idx.msk $0xffff, v9  }
0x7e: {  	v6 =	vor.u32 v4, v54;
	v8 =	vld [tilespmem:s23+$0x64D0];
	_ =	sdelay $0x4  }
0x7f: {  	[tilespmem:v6+s15+$0x0] =	vst.idx.msk $0xffff, v8  }
0x80: {  	v7 =	vor.u32 v4, v55;
	v6 =	vld [tilespmem:s23+$0x64E0];
	_ =	sdelay $0x4  }
0x81: {  	[tilespmem:v7+s15+$0x0] =	vst.idx.msk $0xffff, v6  }
0x82: {  	v4 =	vor.u32 v4, v5;
	v6 =	vld [tilespmem:s23+$0x64F0]  }
0x83: {  	s25 =	sadd.s32 s4, s22  }
0x84: {  	s24 =	sshll.u32 s25, $0x7  }
0x85: {  	s24 =	sand.u32 $0x3F00, s24;
	s23 =	sshll.u32 s25, $0xA  }
0x86: {  	s24 =	sadd.s32 s2, s24;
	s23 =	sand.u32 $0xFFE0000, s23  }
0x87: {  	s26 =	simm.s32 $0xA400;
	s24 =	sadd.s32 s23, s24;
	[tilespmem:v4+s15+$0x0] =	vst.idx.msk $0xffff, v6  }
0x88: {  	[hbm4b:s24+s3] =	stream.linear.scatter [tilespmem:s26], [sflag:$0x3], $0x80, $0x38;
	[tilespmem:$0xE800] =	vst v63  }
0x89: {  	s29 =	simm.s32 $0xA488;
	s25 =	sadd.s32 $0x10, s24  }
0x8a: {  	[hbm4b:s25+s3] =	stream.linear.scatter [tilespmem:s29], [sflag:$0x3], $0x80, $0x38;
	[tilespmem:$0xE800] =	vst v63  }
0x8b: {  	s30 =	simm.s32 $0xA510;
	s23 =	simm.s32 $0x440;
	s31 =	sadd.s32 $0x20, s24  }
0x8c: {  	[hbm4b:s31+s3] =	stream.linear.scatter [tilespmem:s30], [sflag:$0x3], $0x80, $0x38;
	[tilespmem:$0xE800] =	vst v63  }
0x8d: {  	s28 =	sadd.s32 $0x70, s24;
	s26 =	simm.s32 $0xA598;
	s29 =	sadd.s32 $0x30, s24  }
0x8e: {  	[hbm4b:s29+s3] =	stream.linear.scatter [tilespmem:s26], [sflag:$0x3], $0x80, $0x38;
	[tilespmem:$0xE800] =	vst v63  }
0x8f: {  	s25 =	simm.s32 $0x2200;
	s30 =	simm.s32 $0xA620;
	s31 =	sadd.s32 $0x40, s24  }
0x90: {  	[hbm4b:s31+s3] =	stream.linear.scatter [tilespmem:s30], [sflag:$0x3], $0x80, $0x38;
	[tilespmem:$0xE800] =	vst v63  }
0x91: {  	s26 =	simm.s32 $0xA6A8;
	s29 =	sadd.s32 $0x50, s24;
	s30 =	simm.s32 $0xA730  }
0x92: {  	[hbm4b:s29+s3] =	stream.linear.scatter [tilespmem:s26], [sflag:$0x3], $0x80, $0x38;
	[tilespmem:$0xE800] =	vst v63  }
0x93: {  	s31 =	sadd.s32 $0x60, s24;
	s24 =	sadd.s32 $0x4000, s24;
	s26 =	simm.s32 $0xA7B8  }
0x94: {  	[hbm4b:s31+s3] =	stream.linear.scatter [tilespmem:s30], [sflag:$0x3], $0x80, $0x38;
	[tilespmem:$0xE800] =	vst v63  }
.LBB2_5:
0x95: {  	[hbm4b:s28+s3] =	stream.linear.scatter [tilespmem:s26], [sflag:$0x3], $0x80, $0x38;
	[tilespmem:$0xE800] =	vst v63  }
0x96: {  	s26 =	smov.u32 s23;
	s23 =	smov.u32 s25  }
0x97: {  	s29 =	sadd.s32 $0x1100, s25;
	s23 =	sshra.s32 s23, $0x2;
	s28 =	sadd.s32 $0xA400, s26  }
0x98: {  	[hbm4b:s24+s3] =	stream.linear.scatter [tilespmem:s28], [sflag:$0x3], $0x80, $0x38;
	[tilespmem:$0xE800] =	vst v63  }
0x99: {  	p1 =	sne.s32 s25, $0x7700;
	s25 =	sadd.s32 $0xA488, s26;
	s28 =	sadd.s32 $0x10, s24  }
0x9a: {  	[hbm4b:s28+s3] =	stream.linear.scatter [tilespmem:s25], [sflag:$0x3], $0x80, $0x38;
	[tilespmem:$0xE800] =	vst v63  }
0x9b: {  	s25 =	sadd.s32 $0xA510, s26;
	s28 =	sadd.s32 $0x20, s24  }
0x9c: {  	[hbm4b:s28+s3] =	stream.linear.scatter [tilespmem:s25], [sflag:$0x3], $0x80, $0x38;
	[tilespmem:$0xE800] =	vst v63  }
0x9d: {  	s25 =	sadd.s32 $0xA598, s26;
	s28 =	sadd.s32 $0x30, s24  }
0x9e: {  	[hbm4b:s28+s3] =	stream.linear.scatter [tilespmem:s25], [sflag:$0x3], $0x80, $0x38;
	[tilespmem:$0xE800] =	vst v63  }
0x9f: {  	s25 =	sadd.s32 $0xA620, s26;
	s28 =	sadd.s32 $0x40, s24  }
0xa0: {  	[hbm4b:s28+s3] =	stream.linear.scatter [tilespmem:s25], [sflag:$0x3], $0x80, $0x38;
	[tilespmem:$0xE800] =	vst v63  }
.Ltmp1:
0xa1: {  	s25 =	sadd.s32 $0xA6A8, s26;
	s28 =	sadd.s32 $0x50, s24;
	(pc) =	sbr.rel @p1 .LBB2_5-.Ltmp1, $4  }
0xa2: {  	[hbm4b:s28+s3] =	stream.linear.scatter [tilespmem:s25], [sflag:$0x3], $0x80, $0x38;
	[tilespmem:$0xE800] =	vst v63  }
0xa3: {  	s25 =	sadd.s32 $0xA730, s26;
	s28 =	sadd.s32 $0x60, s24;
	s26 =	sadd.s32 $0xA7B8, s26  }
0xa4: {  	[hbm4b:s28+s3] =	stream.linear.scatter [tilespmem:s25], [sflag:$0x3], $0x80, $0x38;
	[tilespmem:$0xE800] =	vst v63  }
0xa5: {  	s28 =	sadd.s32 $0x70, s24;
	s24 =	sadd.s32 $0x4000, s24;
	s25 =	smov.u32 s29  }
0xa6: {  	[hbm4b:s28+s3] =	stream.linear.scatter [tilespmem:s26], [sflag:$0x3], $0x80, $0x38;
	[tilespmem:$0xE800] =	vst v63  }
0xa7: {  	s25 =	sadd.s32 $0xA400, s23  }
0xa8: {  	[hbm4b:s24+s3] =	stream.linear.scatter [tilespmem:s25], [sflag:$0x3], $0x80, $0x38;
	[tilespmem:$0xE800] =	vst v63  }
0xa9: {  	s28 =	sadd.s32 $0xA488, s23;
	s29 =	sadd.s32 $0x10, s24  }
0xaa: {  	[hbm4b:s29+s3] =	stream.linear.scatter [tilespmem:s28], [sflag:$0x3], $0x80, $0x38;
	[tilespmem:$0xE800] =	vst v63  }
0xab: {  	s30 =	sadd.s32 $0xA510, s23;
	s31 =	sadd.s32 $0x20, s24  }
0xac: {  	[hbm4b:s31+s3] =	stream.linear.scatter [tilespmem:s30], [sflag:$0x3], $0x80, $0x38;
	[tilespmem:$0xE800] =	vst v63  }
0xad: {  	s28 =	sadd.s32 $0xA598, s23;
	s29 =	sadd.s32 $0x30, s24  }
0xae: {  	[hbm4b:s29+s3] =	stream.linear.scatter [tilespmem:s28], [sflag:$0x3], $0x80, $0x38;
	[tilespmem:$0xE800] =	vst v63  }
0xaf: {  	s30 =	sadd.s32 $0xA620, s23;
	s31 =	sadd.s32 $0x40, s24  }
0xb0: {  	[hbm4b:s31+s3] =	stream.linear.scatter [tilespmem:s30], [sflag:$0x3], $0x80, $0x38;
	[tilespmem:$0xE800] =	vst v63  }
0xb1: {  	s28 =	sadd.s32 $0xA6A8, s23;
	s29 =	sadd.s32 $0x50, s24  }
0xb2: {  	[hbm4b:s29+s3] =	stream.linear.scatter [tilespmem:s28], [sflag:$0x3], $0x80, $0x38;
	[tilespmem:$0xE800] =	vst v63  }
0xb3: {  	s30 =	sadd.s32 $0xA730, s23;
	s31 =	sadd.s32 $0x60, s24;
	s29 =	sshll.u32 s21, $0x8  }
0xb4: {  	[hbm4b:s31+s3] =	stream.linear.scatter [tilespmem:s30], [sflag:$0x3], $0x80, $0x38;
	[tilespmem:$0xE800] =	vst v63  }
0xb5: {  	s26 =	sadd.s32 $0xA7B8, s23;
	s28 =	sadd.s32 $0x70, s24;
	s23 =	sand.u32 $0x3FFFFF00, s29  }
0xb6: {  	[hbm4b:s28+s3] =	stream.linear.scatter [tilespmem:s26], [sflag:$0x3], $0x80, $0x38;
	[tilespmem:$0xE800] =	vst v63  }
0xb7: {  	s30 =	sadd.s32 $0x100, s23  }
0xb8: {  	[tilespmem:s12], [sflag:$0x1] =	stream.indirect.gather [hbm4b:s5+s11], $0x40, s30, s11, $0xb8;
	[tilespmem:$0xE800] =	vst v63  }
0xb9: {  	_ =	swait.ge [sflag:s16], $0x2000  }
0xba: {  	[sflag:s16] =	ssyncset.done $0x0  }
0xbb: {  	s24 =	simm.s32 @!p0 $0x4;
	[sflag:s16] =	ssyncadd.s32 $0xFFFFE000  }
0xbc: {  	v4 =	vimm.s32 $0x0;
	_ =	swait.ge @!p0 [sflag:s24], $0x2000  }
0xbd: {  	v5 =	vand.u32 $0xFFFFFFF8, v4;
	[sflag:s24] =	ssyncset.done @!p0 $0x0  }
0xbe: {  	v6 =	vand.u32 $0x4, v4;
	v7 =	vadd.s32 v0, v5;
	s31 =	simm.s32 $0x0;
	[sflag:s24] =	ssyncadd.s32 @!p0 $0xFFFFE000  }
0xbf: {  	v9 =	vor.u32 v6, v7;
	v8 =	vld [tilespmem:s31+$0x8400];
	_ =	sdelay $0x4  }
0xc0: {  	[tilespmem:v9+s17+$0x0] =	vst.idx.msk $0xffff, v8;
	v8 =	vadd.s32 v1, v5  }
0xc1: {  	v9 =	vld [tilespmem:s31+$0x8410];
	v10 =	vor.u32 v6, v8;
	_ =	sdelay $0x4  }
0xc2: {  	v54 =	vadd.s32 v2, v5;
	[tilespmem:v10+s17+$0x0] =	vst.idx.msk $0xffff, v9  }
0xc3: {  	v11 =	vor.u32 v6, v54;
	v10 =	vld [tilespmem:s31+$0x8420];
	_ =	sdelay $0x4  }
0xc4: {  	v5 =	vadd.s32 v3, v5;
	[tilespmem:v11+s17+$0x0] =	vst.idx.msk $0xffff, v10  }
0xc5: {  	v55 =	vor.u32 v6, v5;
	v10 =	vld [tilespmem:s31+$0x8430];
	_ =	sdelay $0x4  }
0xc6: {  	v56 =	vor.u32 $0x1, v6;
	[tilespmem:v55+s17+$0x0] =	vst.idx.msk $0xffff, v10  }
0xc7: {  	v12 =	vor.u32 v56, v7;
	v11 =	vld [tilespmem:s31+$0x8440];
	_ =	sdelay $0x4  }
0xc8: {  	[tilespmem:v12+s17+$0x0] =	vst.idx.msk $0xffff, v11  }
0xc9: {  	v57 =	vor.u32 v56, v8;
	v11 =	vld [tilespmem:s31+$0x8450];
	_ =	sdelay $0x4  }
0xca: {  	[tilespmem:v57+s17+$0x0] =	vst.idx.msk $0xffff, v11  }
0xcb: {  	v58 =	vor.u32 v56, v54;
	v11 =	vld [tilespmem:s31+$0x8460];
	_ =	sdelay $0x4  }
0xcc: {  	[tilespmem:v58+s17+$0x0] =	vst.idx.msk $0xffff, v11  }
0xcd: {  	v10 =	vor.u32 v56, v5;
	v11 =	vld [tilespmem:s31+$0x8470];
	_ =	sdelay $0x4  }
0xce: {  	v59 =	vor.u32 $0x2, v6;
	[tilespmem:v10+s17+$0x0] =	vst.idx.msk $0xffff, v11  }
0xcf: {  	v60 =	vor.u32 v59, v7;
	v11 =	vld [tilespmem:s31+$0x8480];
	_ =	sdelay $0x4  }
0xd0: {  	[tilespmem:v60+s17+$0x0] =	vst.idx.msk $0xffff, v11  }
0xd1: {  	v61 =	vor.u32 v59, v8;
	v11 =	vld [tilespmem:s31+$0x8490];
	_ =	sdelay $0x4  }
0xd2: {  	[tilespmem:v61+s17+$0x0] =	vst.idx.msk $0xffff, v11  }
0xd3: {  	v62 =	vor.u32 v59, v54;
	v11 =	vld [tilespmem:s31+$0x84A0];
	_ =	sdelay $0x4  }
0xd4: {  	[tilespmem:v62+s17+$0x0] =	vst.idx.msk $0xffff, v11  }
0xd5: {  	v10 =	vor.u32 v59, v5;
	v11 =	vld [tilespmem:s31+$0x84B0];
	_ =	sdelay $0x4  }
0xd6: {  	v63 =	vor.u32 $0x3, v6;
	[tilespmem:v10+s17+$0x0] =	vst.idx.msk $0xffff, v11  }
0xd7: {  	v7 =	vor.u32 v63, v7;
	v6 =	vld [tilespmem:s31+$0x84C0];
	_ =	sdelay $0x4  }
0xd8: {  	[tilespmem:v7+s17+$0x0] =	vst.idx.msk $0xffff, v6  }
0xd9: {  	v7 =	vor.u32 v63, v8;
	v6 =	vld [tilespmem:s31+$0x84D0];
	_ =	sdelay $0x4  }
0xda: {  	[tilespmem:v7+s17+$0x0] =	vst.idx.msk $0xffff, v6  }
0xdb: {  	v7 =	vor.u32 v63, v54;
	v6 =	vld [tilespmem:s31+$0x84E0];
	_ =	sdelay $0x4  }
0xdc: {  	[tilespmem:v7+s17+$0x0] =	vst.idx.msk $0xffff, v6  }
0xdd: {  	v7 =	vor.u32 v63, v5;
	v6 =	vld [tilespmem:s31+$0x84F0];
	_ =	sdelay $0x2  }
0xde: {  	v4 =	vadd.s32 $0x4, v4  }
0xdf: {  	s22 =	sor.u32 $0x1, s22;
	s25 =	simm.s32 $0x800;
	s24 =	simm.s32 $0x400;
	v5 =	vand.u32 $0xFFFFFFF8, v4  }
.LBB2_7:
0xe0: {  	p0 =	sne.s32 s25, $0x7C00;
	s26 =	sshra.s32 s24, $0x2;
	v8 =	vand.u32 $0x4, v4;
	v9 =	vadd.s32 v0, v5;
	[tilespmem:v7+s17+$0x0] =	vst.idx.msk $0xffff, v6;
	s24 =	smov.u32 s25  }
0xe1: {  	v6 =	vld [tilespmem:s26+$0x8400];
	v7 =	vor.u32 v8, v9;
	_ =	sdelay $0x4  }
0xe2: {  	[tilespmem:v7+s17+$0x0] =	vst.idx.msk $0xffff, v6;
	v6 =	vadd.s32 v1, v5  }
0xe3: {  	v7 =	vld [tilespmem:s26+$0x8410];
	v10 =	vor.u32 v8, v6;
	_ =	sdelay $0x4  }
0xe4: {  	[tilespmem:v10+s17+$0x0] =	vst.idx.msk $0xffff, v7;
	v7 =	vadd.s32 v2, v5  }
0xe5: {  	v10 =	vld [tilespmem:s26+$0x8420];
	v11 =	vor.u32 v8, v7;
	_ =	sdelay $0x4  }
0xe6: {  	v5 =	vadd.s32 v3, v5;
	[tilespmem:v11+s17+$0x0] =	vst.idx.msk $0xffff, v10  }
0xe7: {  	v11 =	vor.u32 v8, v5;
	v10 =	vld [tilespmem:s26+$0x8430];
	_ =	sdelay $0x4  }
0xe8: {  	[tilespmem:v11+s17+$0x0] =	vst.idx.msk $0xffff, v10;
	v10 =	vor.u32 $0x1, v8  }
0xe9: {  	v11 =	vld [tilespmem:s26+$0x8440];
	v12 =	vor.u32 v10, v9;
	_ =	sdelay $0x4  }
0xea: {  	[tilespmem:v12+s17+$0x0] =	vst.idx.msk $0xffff, v11  }
0xeb: {  	v12 =	vor.u32 v10, v6;
	v11 =	vld [tilespmem:s26+$0x8450];
	_ =	sdelay $0x4  }
0xec: {  	[tilespmem:v12+s17+$0x0] =	vst.idx.msk $0xffff, v11  }
0xed: {  	v12 =	vor.u32 v10, v7;
	v11 =	vld [tilespmem:s26+$0x8460];
	_ =	sdelay $0x4  }
0xee: {  	[tilespmem:v12+s17+$0x0] =	vst.idx.msk $0xffff, v11  }
0xef: {  	v10 =	vor.u32 v10, v5;
	v11 =	vld [tilespmem:s26+$0x8470];
	_ =	sdelay $0x4  }
0xf0: {  	[tilespmem:v10+s17+$0x0] =	vst.idx.msk $0xffff, v11;
	v10 =	vor.u32 $0x2, v8  }
0xf1: {  	v11 =	vld [tilespmem:s26+$0x8480];
	v12 =	vor.u32 v10, v9;
	_ =	sdelay $0x4  }
0xf2: {  	[tilespmem:v12+s17+$0x0] =	vst.idx.msk $0xffff, v11  }
0xf3: {  	v12 =	vor.u32 v10, v6;
	v11 =	vld [tilespmem:s26+$0x8490];
	_ =	sdelay $0x4  }
0xf4: {  	[tilespmem:v12+s17+$0x0] =	vst.idx.msk $0xffff, v11  }
0xf5: {  	v12 =	vor.u32 v10, v7;
	v11 =	vld [tilespmem:s26+$0x84A0];
	_ =	sdelay $0x4  }
0xf6: {  	[tilespmem:v12+s17+$0x0] =	vst.idx.msk $0xffff, v11  }
0xf7: {  	v10 =	vor.u32 v10, v5;
	v11 =	vld [tilespmem:s26+$0x84B0];
	_ =	sdelay $0x4  }
0xf8: {  	v8 =	vor.u32 $0x3, v8;
	[tilespmem:v10+s17+$0x0] =	vst.idx.msk $0xffff, v11  }
0xf9: {  	v9 =	vor.u32 v8, v9;
	v10 =	vld [tilespmem:s26+$0x84C0];
	_ =	sdelay $0x4  }
0xfa: {  	[tilespmem:v9+s17+$0x0] =	vst.idx.msk $0xffff, v10  }
0xfb: {  	v6 =	vor.u32 v8, v6;
	v9 =	vld [tilespmem:s26+$0x84D0];
	_ =	sdelay $0x4  }
0xfc: {  	[tilespmem:v6+s17+$0x0] =	vst.idx.msk $0xffff, v9  }
0xfd: {  	v7 =	vor.u32 v8, v7;
	v6 =	vld [tilespmem:s26+$0x84E0];
	_ =	sdelay $0x4  }
0xfe: {  	[tilespmem:v7+s17+$0x0] =	vst.idx.msk $0xffff, v6  }
.Ltmp2:
0xff: {  	v7 =	vor.u32 v8, v5;
	v6 =	vld [tilespmem:s26+$0x84F0];
	(pc) =	sbr.rel @p0 .LBB2_7-.Ltmp2, $3  }
0x100: {  	_ =	sdelay $0x1  }
0x101: {  	v4 =	vadd.s32 $0x4, v4  }
0x102: {  	s25 =	sadd.s32 $0x400, s25;
	v5 =	vand.u32 $0xFFFFFFF8, v4  }
0x103: {  	_ =	sdelay $0x3  }
0x104: {  	s24 =	sshra.s32 s24, $0x2;
	v4 =	vand.u32 $0x4, v4;
	v8 =	vadd.s32 v0, v5;
	[tilespmem:v7+s17+$0x0] =	vst.idx.msk $0xffff, v6  }
0x105: {  	v6 =	vld [tilespmem:s24+$0x8400];
	v53 =	vor.u32 v4, v8;
	_ =	sdelay $0x4  }
0x106: {  	v54 =	vadd.s32 v1, v5;
	[tilespmem:v53+s17+$0x0] =	vst.idx.msk $0xffff, v6  }
0x107: {  	v9 =	vor.u32 v4, v54;
	v7 =	vld [tilespmem:s24+$0x8410];
	_ =	sdelay $0x4  }
0x108: {  	v55 =	vadd.s32 v2, v5;
	[tilespmem:v9+s17+$0x0] =	vst.idx.msk $0xffff, v7  }
0x109: {  	v10 =	vor.u32 v4, v55;
	v9 =	vld [tilespmem:s24+$0x8420];
	_ =	sdelay $0x4  }
0x10a: {  	v5 =	vadd.s32 v3, v5;
	[tilespmem:v10+s17+$0x0] =	vst.idx.msk $0xffff, v9  }
0x10b: {  	v56 =	vor.u32 v4, v5;
	v9 =	vld [tilespmem:s24+$0x8430];
	_ =	sdelay $0x4  }
0x10c: {  	v57 =	vor.u32 $0x1, v4;
	[tilespmem:v56+s17+$0x0] =	vst.idx.msk $0xffff, v9  }
0x10d: {  	v11 =	vor.u32 v57, v8;
	v10 =	vld [tilespmem:s24+$0x8440];
	_ =	sdelay $0x4  }
0x10e: {  	[tilespmem:v11+s17+$0x0] =	vst.idx.msk $0xffff, v10  }
0x10f: {  	v58 =	vor.u32 v57, v54;
	v10 =	vld [tilespmem:s24+$0x8450];
	_ =	sdelay $0x4  }
0x110: {  	[tilespmem:v58+s17+$0x0] =	vst.idx.msk $0xffff, v10  }
0x111: {  	v59 =	vor.u32 v57, v55;
	v10 =	vld [tilespmem:s24+$0x8460];
	_ =	sdelay $0x4  }
0x112: {  	[tilespmem:v59+s17+$0x0] =	vst.idx.msk $0xffff, v10  }
0x113: {  	v9 =	vor.u32 v57, v5;
	v10 =	vld [tilespmem:s24+$0x8470];
	_ =	sdelay $0x4  }
0x114: {  	v60 =	vor.u32 $0x2, v4;
	[tilespmem:v9+s17+$0x0] =	vst.idx.msk $0xffff, v10  }
0x115: {  	v61 =	vor.u32 v60, v8;
	v10 =	vld [tilespmem:s24+$0x8480];
	_ =	sdelay $0x4  }
0x116: {  	[tilespmem:v61+s17+$0x0] =	vst.idx.msk $0xffff, v10  }
0x117: {  	v62 =	vor.u32 v60, v54;
	v10 =	vld [tilespmem:s24+$0x8490];
	_ =	sdelay $0x4  }
0x118: {  	[tilespmem:v62+s17+$0x0] =	vst.idx.msk $0xffff, v10  }
0x119: {  	v63 =	vor.u32 v60, v55;
	v10 =	vld [tilespmem:s24+$0x84A0];
	_ =	sdelay $0x4  }
0x11a: {  	[tilespmem:v63+s17+$0x0] =	vst.idx.msk $0xffff, v10  }
0x11b: {  	v9 =	vor.u32 v60, v5;
	v10 =	vld [tilespmem:s24+$0x84B0];
	_ =	sdelay $0x4  }
0x11c: {  	v4 =	vor.u32 $0x3, v4;
	[tilespmem:v9+s17+$0x0] =	vst.idx.msk $0xffff, v10  }
0x11d: {  	v8 =	vor.u32 v4, v8;
	v9 =	vld [tilespmem:s24+$0x84C0];
	_ =	sdelay $0x4  }
0x11e: {  	[tilespmem:v8+s17+$0x0] =	vst.idx.msk $0xffff, v9  }
0x11f: {  	v6 =	vor.u32 v4, v54;
	v8 =	vld [tilespmem:s24+$0x84D0];
	_ =	sdelay $0x4  }
0x120: {  	[tilespmem:v6+s17+$0x0] =	vst.idx.msk $0xffff, v8  }
0x121: {  	v7 =	vor.u32 v4, v55;
	v6 =	vld [tilespmem:s24+$0x84E0];
	_ =	sdelay $0x4  }
0x122: {  	[tilespmem:v7+s17+$0x0] =	vst.idx.msk $0xffff, v6  }
0x123: {  	v4 =	vor.u32 v4, v5;
	v6 =	vld [tilespmem:s24+$0x84F0]  }
0x124: {  	s22 =	sadd.s32 s4, s22  }
0x125: {  	s25 =	sshll.u32 s22, $0x7  }
0x126: {  	s22 =	sshll.u32 s22, $0xA;
	s24 =	sand.u32 $0x3F80, s25  }
0x127: {  	s22 =	sand.u32 $0xFFE0000, s22;
	s24 =	sadd.s32 s2, s24  }
0x128: {  	s26 =	simm.s32 $0xC600;
	s24 =	sadd.s32 s22, s24;
	[tilespmem:v4+s17+$0x0] =	vst.idx.msk $0xffff, v6  }
0x129: {  	[hbm4b:s24+s3] =	stream.linear.scatter [tilespmem:s26], [sflag:$0x4], $0x80, $0x38;
	[tilespmem:$0xE800] =	vst v63  }
0x12a: {  	s29 =	simm.s32 $0xC688;
	s25 =	sadd.s32 $0x10, s24  }
0x12b: {  	[hbm4b:s25+s3] =	stream.linear.scatter [tilespmem:s29], [sflag:$0x4], $0x80, $0x38;
	[tilespmem:$0xE800] =	vst v63  }
0x12c: {  	s30 =	simm.s32 $0xC710;
	s22 =	simm.s32 $0x440;
	s31 =	sadd.s32 $0x20, s24  }
0x12d: {  	[hbm4b:s31+s3] =	stream.linear.scatter [tilespmem:s30], [sflag:$0x4], $0x80, $0x38;
	[tilespmem:$0xE800] =	vst v63  }
0x12e: {  	s28 =	sadd.s32 $0x70, s24;
	s26 =	simm.s32 $0xC798;
	s29 =	sadd.s32 $0x30, s24  }
0x12f: {  	[hbm4b:s29+s3] =	stream.linear.scatter [tilespmem:s26], [sflag:$0x4], $0x80, $0x38;
	[tilespmem:$0xE800] =	vst v63  }
0x130: {  	s25 =	simm.s32 $0x2200;
	s30 =	simm.s32 $0xC820;
	s31 =	sadd.s32 $0x40, s24  }
0x131: {  	[hbm4b:s31+s3] =	stream.linear.scatter [tilespmem:s30], [sflag:$0x4], $0x80, $0x38;
	[tilespmem:$0xE800] =	vst v63  }
0x132: {  	s26 =	simm.s32 $0xC8A8;
	s29 =	sadd.s32 $0x50, s24;
	s30 =	simm.s32 $0xC930  }
0x133: {  	[hbm4b:s29+s3] =	stream.linear.scatter [tilespmem:s26], [sflag:$0x4], $0x80, $0x38;
	[tilespmem:$0xE800] =	vst v63  }
0x134: {  	s31 =	sadd.s32 $0x60, s24;
	s24 =	sadd.s32 $0x4000, s24;
	s26 =	simm.s32 $0xC9B8  }
0x135: {  	[hbm4b:s31+s3] =	stream.linear.scatter [tilespmem:s30], [sflag:$0x4], $0x80, $0x38;
	[tilespmem:$0xE800] =	vst v63  }
.LBB2_9:
0x136: {  	[hbm4b:s28+s3] =	stream.linear.scatter [tilespmem:s26], [sflag:$0x4], $0x80, $0x38;
	[tilespmem:$0xE800] =	vst v63  }
0x137: {  	s26 =	smov.u32 s22;
	s22 =	smov.u32 s25  }
0x138: {  	s29 =	sadd.s32 $0x1100, s25;
	s22 =	sshra.s32 s22, $0x2;
	s28 =	sadd.s32 $0xC600, s26  }
0x139: {  	[hbm4b:s24+s3] =	stream.linear.scatter [tilespmem:s28], [sflag:$0x4], $0x80, $0x38;
	[tilespmem:$0xE800] =	vst v63  }
0x13a: {  	p0 =	sne.s32 s25, $0x7700;
	s25 =	sadd.s32 $0xC688, s26;
	s28 =	sadd.s32 $0x10, s24  }
0x13b: {  	[hbm4b:s28+s3] =	stream.linear.scatter [tilespmem:s25], [sflag:$0x4], $0x80, $0x38;
	[tilespmem:$0xE800] =	vst v63  }
0x13c: {  	s25 =	sadd.s32 $0xC710, s26;
	s28 =	sadd.s32 $0x20, s24  }
0x13d: {  	[hbm4b:s28+s3] =	stream.linear.scatter [tilespmem:s25], [sflag:$0x4], $0x80, $0x38;
	[tilespmem:$0xE800] =	vst v63  }
0x13e: {  	s25 =	sadd.s32 $0xC798, s26;
	s28 =	sadd.s32 $0x30, s24  }
0x13f: {  	[hbm4b:s28+s3] =	stream.linear.scatter [tilespmem:s25], [sflag:$0x4], $0x80, $0x38;
	[tilespmem:$0xE800] =	vst v63  }
0x140: {  	s25 =	sadd.s32 $0xC820, s26;
	s28 =	sadd.s32 $0x40, s24  }
0x141: {  	[hbm4b:s28+s3] =	stream.linear.scatter [tilespmem:s25], [sflag:$0x4], $0x80, $0x38;
	[tilespmem:$0xE800] =	vst v63  }
.Ltmp3:
0x142: {  	s25 =	sadd.s32 $0xC8A8, s26;
	s28 =	sadd.s32 $0x50, s24;
	(pc) =	sbr.rel @p0 .LBB2_9-.Ltmp3, $4  }
0x143: {  	[hbm4b:s28+s3] =	stream.linear.scatter [tilespmem:s25], [sflag:$0x4], $0x80, $0x38;
	[tilespmem:$0xE800] =	vst v63  }
0x144: {  	s25 =	sadd.s32 $0xC930, s26;
	s28 =	sadd.s32 $0x60, s24;
	s26 =	sadd.s32 $0xC9B8, s26  }
0x145: {  	[hbm4b:s28+s3] =	stream.linear.scatter [tilespmem:s25], [sflag:$0x4], $0x80, $0x38;
	[tilespmem:$0xE800] =	vst v63  }
0x146: {  	s28 =	sadd.s32 $0x70, s24;
	s24 =	sadd.s32 $0x4000, s24;
	s25 =	smov.u32 s29  }
0x147: {  	[hbm4b:s28+s3] =	stream.linear.scatter [tilespmem:s26], [sflag:$0x4], $0x80, $0x38;
	[tilespmem:$0xE800] =	vst v63  }
0x148: {  	s25 =	sadd.s32 $0xC600, s22  }
0x149: {  	[hbm4b:s24+s3] =	stream.linear.scatter [tilespmem:s25], [sflag:$0x4], $0x80, $0x38;
	[tilespmem:$0xE800] =	vst v63  }
0x14a: {  	s30 =	sadd.s32 $0xC688, s22;
	s31 =	sadd.s32 $0x10, s24  }
0x14b: {  	[hbm4b:s31+s3] =	stream.linear.scatter [tilespmem:s30], [sflag:$0x4], $0x80, $0x38;
	[tilespmem:$0xE800] =	vst v63  }
0x14c: {  	s28 =	sadd.s32 $0xC710, s22;
	s29 =	sadd.s32 $0x20, s24  }
0x14d: {  	[hbm4b:s29+s3] =	stream.linear.scatter [tilespmem:s28], [sflag:$0x4], $0x80, $0x38;
	[tilespmem:$0xE800] =	vst v63  }
0x14e: {  	s30 =	sadd.s32 $0xC798, s22;
	s31 =	sadd.s32 $0x30, s24  }
0x14f: {  	[hbm4b:s31+s3] =	stream.linear.scatter [tilespmem:s30], [sflag:$0x4], $0x80, $0x38;
	[tilespmem:$0xE800] =	vst v63  }
0x150: {  	s28 =	sadd.s32 $0xC820, s22;
	s29 =	sadd.s32 $0x40, s24  }
0x151: {  	[hbm4b:s29+s3] =	stream.linear.scatter [tilespmem:s28], [sflag:$0x4], $0x80, $0x38;
	[tilespmem:$0xE800] =	vst v63  }
0x152: {  	s21 =	sadd.s32 $0x1, s21;
	s30 =	sadd.s32 $0xC8A8, s22;
	s31 =	sadd.s32 $0x50, s24  }
0x153: {  	[hbm4b:s31+s3] =	stream.linear.scatter [tilespmem:s30], [sflag:$0x4], $0x80, $0x38;
	[tilespmem:$0xE800] =	vst v63  }
0x154: {  	s26 =	sadd.s32 $0xC930, s22;
	p0 =	sne.s32 s21, $0x63;
	s28 =	sadd.s32 $0x60, s24  }
0x155: {  	[hbm4b:s28+s3] =	stream.linear.scatter [tilespmem:s26], [sflag:$0x4], $0x80, $0x38;
	[tilespmem:$0xE800] =	vst v63  }
.Ltmp4:
0x156: {  	_ = 	snop;
	(pc) =	sbr.rel @p0 .LBB2_2-.Ltmp4, $4  }
0x157: {  	s29 =	sadd.s32 $0xC9B8, s22;
	s30 =	sadd.s32 $0x70, s24  }
0x158: {  	[hbm4b:s30+s3] =	stream.linear.scatter [tilespmem:s29], [sflag:$0x4], $0x80, $0x38;
	[tilespmem:$0xE800] =	vst v63  }
0x159: {  	s31 =	sadd.s32 $0x180, s23  }
0x15a: {  	[tilespmem:s13], [sflag:$0x2] =	stream.indirect.gather [hbm4b:s5+s11], $0x40, s31, s11, $0xb8;
	[tilespmem:$0xE800] =	vst v63  }
0x15b: {  	_ =	swait.ge [sflag:s14], $0x2000  }
0x15c: {  	[sflag:s14] =	ssyncset.done $0x0  }
0x15d: {  	[sflag:s14] =	ssyncadd.s32 $0xFFFFE000  }
0x15e: {  	v4 =	vimm.s32 $0x0;
	_ =	swait.ge [sflag:s18], $0x2000  }
0x15f: {  	v5 =	vand.u32 $0xFFFFFFF8, v4;
	[sflag:s18] =	ssyncset.done $0x0  }
0x160: {  	s22 =	simm.s32 $0x0;
	v6 =	vand.u32 $0x4, v4;
	v7 =	vadd.s32 v0, v5;
	[sflag:s18] =	ssyncadd.s32 $0xFFFFE000  }
0x161: {  	v9 =	vor.u32 v6, v7;
	v8 =	vld [tilespmem:s22+$0x6400];
	_ =	sdelay $0x4  }
0x162: {  	[tilespmem:v9+s15+$0x0] =	vst.idx.msk $0xffff, v8;
	v8 =	vadd.s32 v1, v5  }
0x163: {  	v9 =	vld [tilespmem:s22+$0x6410];
	v10 =	vor.u32 v6, v8;
	_ =	sdelay $0x4  }
0x164: {  	v54 =	vadd.s32 v2, v5;
	[tilespmem:v10+s15+$0x0] =	vst.idx.msk $0xffff, v9  }
0x165: {  	v11 =	vor.u32 v6, v54;
	v10 =	vld [tilespmem:s22+$0x6420];
	_ =	sdelay $0x4  }
0x166: {  	v5 =	vadd.s32 v3, v5;
	[tilespmem:v11+s15+$0x0] =	vst.idx.msk $0xffff, v10  }
0x167: {  	v55 =	vor.u32 v6, v5;
	v10 =	vld [tilespmem:s22+$0x6430];
	_ =	sdelay $0x4  }
0x168: {  	v56 =	vor.u32 $0x1, v6;
	[tilespmem:v55+s15+$0x0] =	vst.idx.msk $0xffff, v10  }
0x169: {  	v12 =	vor.u32 v56, v7;
	v11 =	vld [tilespmem:s22+$0x6440];
	_ =	sdelay $0x4  }
0x16a: {  	[tilespmem:v12+s15+$0x0] =	vst.idx.msk $0xffff, v11  }
0x16b: {  	v57 =	vor.u32 v56, v8;
	v11 =	vld [tilespmem:s22+$0x6450];
	_ =	sdelay $0x4  }
0x16c: {  	[tilespmem:v57+s15+$0x0] =	vst.idx.msk $0xffff, v11  }
0x16d: {  	v58 =	vor.u32 v56, v54;
	v11 =	vld [tilespmem:s22+$0x6460];
	_ =	sdelay $0x4  }
0x16e: {  	[tilespmem:v58+s15+$0x0] =	vst.idx.msk $0xffff, v11  }
0x16f: {  	v10 =	vor.u32 v56, v5;
	v11 =	vld [tilespmem:s22+$0x6470];
	_ =	sdelay $0x4  }
0x170: {  	v59 =	vor.u32 $0x2, v6;
	[tilespmem:v10+s15+$0x0] =	vst.idx.msk $0xffff, v11  }
0x171: {  	v60 =	vor.u32 v59, v7;
	v11 =	vld [tilespmem:s22+$0x6480];
	_ =	sdelay $0x4  }
0x172: {  	[tilespmem:v60+s15+$0x0] =	vst.idx.msk $0xffff, v11  }
0x173: {  	v61 =	vor.u32 v59, v8;
	v11 =	vld [tilespmem:s22+$0x6490];
	_ =	sdelay $0x4  }
0x174: {  	[tilespmem:v61+s15+$0x0] =	vst.idx.msk $0xffff, v11  }
0x175: {  	v62 =	vor.u32 v59, v54;
	v11 =	vld [tilespmem:s22+$0x64A0];
	_ =	sdelay $0x4  }
0x176: {  	[tilespmem:v62+s15+$0x0] =	vst.idx.msk $0xffff, v11  }
0x177: {  	v10 =	vor.u32 v59, v5;
	v11 =	vld [tilespmem:s22+$0x64B0];
	_ =	sdelay $0x4  }
0x178: {  	v63 =	vor.u32 $0x3, v6;
	[tilespmem:v10+s15+$0x0] =	vst.idx.msk $0xffff, v11  }
0x179: {  	v7 =	vor.u32 v63, v7;
	v6 =	vld [tilespmem:s22+$0x64C0];
	_ =	sdelay $0x4  }
0x17a: {  	[tilespmem:v7+s15+$0x0] =	vst.idx.msk $0xffff, v6  }
0x17b: {  	v7 =	vor.u32 v63, v8;
	v6 =	vld [tilespmem:s22+$0x64D0];
	_ =	sdelay $0x4  }
0x17c: {  	[tilespmem:v7+s15+$0x0] =	vst.idx.msk $0xffff, v6  }
0x17d: {  	v7 =	vor.u32 v63, v54;
	v6 =	vld [tilespmem:s22+$0x64E0];
	_ =	sdelay $0x4  }
0x17e: {  	[tilespmem:v7+s15+$0x0] =	vst.idx.msk $0xffff, v6  }
0x17f: {  	v7 =	vor.u32 v63, v5;
	v6 =	vld [tilespmem:s22+$0x64F0];
	_ =	sdelay $0x2  }
0x180: {  	v4 =	vadd.s32 $0x4, v4  }
0x181: {  	s21 =	simm.s32 $0x400;
	v5 =	vand.u32 $0xFFFFFFF8, v4;
	s22 =	simm.s32 $0x800  }
.LBB2_12:
0x182: {  	p0 =	sne.s32 s22, $0x7C00;
	s23 =	sshra.s32 s21, $0x2;
	v8 =	vand.u32 $0x4, v4;
	v9 =	vadd.s32 v0, v5;
	[tilespmem:v7+s15+$0x0] =	vst.idx.msk $0xffff, v6;
	s21 =	smov.u32 s22  }
0x183: {  	v6 =	vld [tilespmem:s23+$0x6400];
	v7 =	vor.u32 v8, v9;
	_ =	sdelay $0x4  }
0x184: {  	[tilespmem:v7+s15+$0x0] =	vst.idx.msk $0xffff, v6;
	v6 =	vadd.s32 v1, v5  }
0x185: {  	v7 =	vld [tilespmem:s23+$0x6410];
	v10 =	vor.u32 v8, v6;
	_ =	sdelay $0x4  }
0x186: {  	[tilespmem:v10+s15+$0x0] =	vst.idx.msk $0xffff, v7;
	v7 =	vadd.s32 v2, v5  }
0x187: {  	v10 =	vld [tilespmem:s23+$0x6420];
	v11 =	vor.u32 v8, v7;
	_ =	sdelay $0x4  }
0x188: {  	v5 =	vadd.s32 v3, v5;
	[tilespmem:v11+s15+$0x0] =	vst.idx.msk $0xffff, v10  }
0x189: {  	v11 =	vor.u32 v8, v5;
	v10 =	vld [tilespmem:s23+$0x6430];
	_ =	sdelay $0x4  }
0x18a: {  	[tilespmem:v11+s15+$0x0] =	vst.idx.msk $0xffff, v10;
	v10 =	vor.u32 $0x1, v8  }
0x18b: {  	v11 =	vld [tilespmem:s23+$0x6440];
	v12 =	vor.u32 v10, v9;
	_ =	sdelay $0x4  }
0x18c: {  	[tilespmem:v12+s15+$0x0] =	vst.idx.msk $0xffff, v11  }
0x18d: {  	v12 =	vor.u32 v10, v6;
	v11 =	vld [tilespmem:s23+$0x6450];
	_ =	sdelay $0x4  }
0x18e: {  	[tilespmem:v12+s15+$0x0] =	vst.idx.msk $0xffff, v11  }
0x18f: {  	v12 =	vor.u32 v10, v7;
	v11 =	vld [tilespmem:s23+$0x6460];
	_ =	sdelay $0x4  }
0x190: {  	[tilespmem:v12+s15+$0x0] =	vst.idx.msk $0xffff, v11  }
0x191: {  	v10 =	vor.u32 v10, v5;
	v11 =	vld [tilespmem:s23+$0x6470];
	_ =	sdelay $0x4  }
0x192: {  	[tilespmem:v10+s15+$0x0] =	vst.idx.msk $0xffff, v11;
	v10 =	vor.u32 $0x2, v8  }
0x193: {  	v11 =	vld [tilespmem:s23+$0x6480];
	v12 =	vor.u32 v10, v9;
	_ =	sdelay $0x4  }
0x194: {  	[tilespmem:v12+s15+$0x0] =	vst.idx.msk $0xffff, v11  }
0x195: {  	v12 =	vor.u32 v10, v6;
	v11 =	vld [tilespmem:s23+$0x6490];
	_ =	sdelay $0x4  }
0x196: {  	[tilespmem:v12+s15+$0x0] =	vst.idx.msk $0xffff, v11  }
0x197: {  	v12 =	vor.u32 v10, v7;
	v11 =	vld [tilespmem:s23+$0x64A0];
	_ =	sdelay $0x4  }
0x198: {  	[tilespmem:v12+s15+$0x0] =	vst.idx.msk $0xffff, v11  }
0x199: {  	v10 =	vor.u32 v10, v5;
	v11 =	vld [tilespmem:s23+$0x64B0];
	_ =	sdelay $0x4  }
0x19a: {  	v8 =	vor.u32 $0x3, v8;
	[tilespmem:v10+s15+$0x0] =	vst.idx.msk $0xffff, v11  }
0x19b: {  	v9 =	vor.u32 v8, v9;
	v10 =	vld [tilespmem:s23+$0x64C0];
	_ =	sdelay $0x4  }
0x19c: {  	[tilespmem:v9+s15+$0x0] =	vst.idx.msk $0xffff, v10  }
0x19d: {  	v6 =	vor.u32 v8, v6;
	v9 =	vld [tilespmem:s23+$0x64D0];
	_ =	sdelay $0x4  }
0x19e: {  	[tilespmem:v6+s15+$0x0] =	vst.idx.msk $0xffff, v9  }
0x19f: {  	v7 =	vor.u32 v8, v7;
	v6 =	vld [tilespmem:s23+$0x64E0];
	_ =	sdelay $0x4  }
0x1a0: {  	[tilespmem:v7+s15+$0x0] =	vst.idx.msk $0xffff, v6  }
.Ltmp5:
0x1a1: {  	v7 =	vor.u32 v8, v5;
	v6 =	vld [tilespmem:s23+$0x64F0];
	(pc) =	sbr.rel @p0 .LBB2_12-.Ltmp5, $3  }
0x1a2: {  	_ =	sdelay $0x1  }
0x1a3: {  	v4 =	vadd.s32 $0x4, v4  }
0x1a4: {  	s22 =	sadd.s32 $0x400, s22;
	v5 =	vand.u32 $0xFFFFFFF8, v4  }
0x1a5: {  	_ =	sdelay $0x3  }
0x1a6: {  	s21 =	sshra.s32 s21, $0x2;
	v4 =	vand.u32 $0x4, v4;
	v8 =	vadd.s32 v0, v5;
	[tilespmem:v7+s15+$0x0] =	vst.idx.msk $0xffff, v6  }
0x1a7: {  	v6 =	vld [tilespmem:s21+$0x6400];
	v53 =	vor.u32 v4, v8;
	_ =	sdelay $0x4  }
0x1a8: {  	v54 =	vadd.s32 v1, v5;
	[tilespmem:v53+s15+$0x0] =	vst.idx.msk $0xffff, v6  }
0x1a9: {  	v9 =	vor.u32 v4, v54;
	v7 =	vld [tilespmem:s21+$0x6410];
	_ =	sdelay $0x4  }
0x1aa: {  	v55 =	vadd.s32 v2, v5;
	[tilespmem:v9+s15+$0x0] =	vst.idx.msk $0xffff, v7  }
0x1ab: {  	v10 =	vor.u32 v4, v55;
	v9 =	vld [tilespmem:s21+$0x6420];
	_ =	sdelay $0x4  }
0x1ac: {  	v5 =	vadd.s32 v3, v5;
	[tilespmem:v10+s15+$0x0] =	vst.idx.msk $0xffff, v9  }
0x1ad: {  	v56 =	vor.u32 v4, v5;
	v9 =	vld [tilespmem:s21+$0x6430];
	_ =	sdelay $0x4  }
0x1ae: {  	v57 =	vor.u32 $0x1, v4;
	[tilespmem:v56+s15+$0x0] =	vst.idx.msk $0xffff, v9  }
0x1af: {  	v11 =	vor.u32 v57, v8;
	v10 =	vld [tilespmem:s21+$0x6440];
	_ =	sdelay $0x4  }
0x1b0: {  	[tilespmem:v11+s15+$0x0] =	vst.idx.msk $0xffff, v10  }
0x1b1: {  	v58 =	vor.u32 v57, v54;
	v10 =	vld [tilespmem:s21+$0x6450];
	_ =	sdelay $0x4  }
0x1b2: {  	[tilespmem:v58+s15+$0x0] =	vst.idx.msk $0xffff, v10  }
0x1b3: {  	v59 =	vor.u32 v57, v55;
	v10 =	vld [tilespmem:s21+$0x6460];
	_ =	sdelay $0x4  }
0x1b4: {  	[tilespmem:v59+s15+$0x0] =	vst.idx.msk $0xffff, v10  }
0x1b5: {  	v9 =	vor.u32 v57, v5;
	v10 =	vld [tilespmem:s21+$0x6470];
	_ =	sdelay $0x4  }
0x1b6: {  	v60 =	vor.u32 $0x2, v4;
	[tilespmem:v9+s15+$0x0] =	vst.idx.msk $0xffff, v10  }
0x1b7: {  	v61 =	vor.u32 v60, v8;
	v10 =	vld [tilespmem:s21+$0x6480];
	_ =	sdelay $0x4  }
0x1b8: {  	[tilespmem:v61+s15+$0x0] =	vst.idx.msk $0xffff, v10  }
0x1b9: {  	v62 =	vor.u32 v60, v54;
	v10 =	vld [tilespmem:s21+$0x6490];
	_ =	sdelay $0x4  }
0x1ba: {  	[tilespmem:v62+s15+$0x0] =	vst.idx.msk $0xffff, v10  }
0x1bb: {  	v63 =	vor.u32 v60, v55;
	v10 =	vld [tilespmem:s21+$0x64A0];
	_ =	sdelay $0x4  }
0x1bc: {  	[tilespmem:v63+s15+$0x0] =	vst.idx.msk $0xffff, v10  }
0x1bd: {  	v9 =	vor.u32 v60, v5;
	v10 =	vld [tilespmem:s21+$0x64B0];
	_ =	sdelay $0x4  }
0x1be: {  	v4 =	vor.u32 $0x3, v4;
	[tilespmem:v9+s15+$0x0] =	vst.idx.msk $0xffff, v10  }
0x1bf: {  	v8 =	vor.u32 v4, v8;
	v9 =	vld [tilespmem:s21+$0x64C0];
	_ =	sdelay $0x4  }
0x1c0: {  	[tilespmem:v8+s15+$0x0] =	vst.idx.msk $0xffff, v9  }
0x1c1: {  	v6 =	vor.u32 v4, v54;
	v8 =	vld [tilespmem:s21+$0x64D0];
	_ =	sdelay $0x4  }
0x1c2: {  	[tilespmem:v6+s15+$0x0] =	vst.idx.msk $0xffff, v8  }
0x1c3: {  	v7 =	vor.u32 v4, v55;
	v6 =	vld [tilespmem:s21+$0x64E0];
	_ =	sdelay $0x4  }
0x1c4: {  	[tilespmem:v7+s15+$0x0] =	vst.idx.msk $0xffff, v6  }
0x1c5: {  	v4 =	vor.u32 v4, v5;
	v6 =	vld [tilespmem:s21+$0x64F0];
	_ =	sdelay $0x4  }
0x1c6: {  	s28 =	simm.s32 $0xA400;
	[tilespmem:v4+s15+$0x0] =	vst.idx.msk $0xffff, v6  }
0x1c7: {  	[hbm4b:s7+s3] =	stream.linear.scatter [tilespmem:s28], [sflag:$0x3], $0x80, $0x38;
	[tilespmem:$0xE800] =	vst v63  }
0x1c8: {  	s29 =	simm.s32 $0xA488;
	s22 =	sadd.s32 $0x10, s7  }
0x1c9: {  	[hbm4b:s22+s3] =	stream.linear.scatter [tilespmem:s29], [sflag:$0x3], $0x80, $0x38;
	[tilespmem:$0xE800] =	vst v63  }
0x1ca: {  	s30 =	simm.s32 $0xA510;
	s31 =	sadd.s32 $0x20, s7;
	s23 =	simm.s32 $0xA598  }
0x1cb: {  	[hbm4b:s31+s3] =	stream.linear.scatter [tilespmem:s30], [sflag:$0x3], $0x80, $0x38;
	[tilespmem:$0xE800] =	vst v63  }
0x1cc: {  	s24 =	sadd.s32 $0x30, s7;
	s25 =	simm.s32 $0xA620;
	s26 =	sadd.s32 $0x40, s7  }
0x1cd: {  	[hbm4b:s24+s3] =	stream.linear.scatter [tilespmem:s23], [sflag:$0x3], $0x80, $0x38;
	[tilespmem:$0xE800] =	vst v63  }
0x1ce: {  	s21 =	simm.s32 $0x440;
	s28 =	simm.s32 $0xA6A8;
	s29 =	sadd.s32 $0x50, s7  }
0x1cf: {  	[hbm4b:s26+s3] =	stream.linear.scatter [tilespmem:s25], [sflag:$0x3], $0x80, $0x38;
	[tilespmem:$0xE800] =	vst v63  }
0x1d0: {  	s22 =	sadd.s32 $0x4000, s7;
	s30 =	simm.s32 $0xA730;
	s31 =	sadd.s32 $0x60, s7  }
0x1d1: {  	[hbm4b:s29+s3] =	stream.linear.scatter [tilespmem:s28], [sflag:$0x3], $0x80, $0x38;
	[tilespmem:$0xE800] =	vst v63  }
0x1d2: {  	s23 =	simm.s32 $0x2200;
	s24 =	simm.s32 $0xA7B8;
	s25 =	sadd.s32 $0x70, s7  }
0x1d3: {  	[hbm4b:s31+s3] =	stream.linear.scatter [tilespmem:s30], [sflag:$0x3], $0x80, $0x38;
	[tilespmem:$0xE800] =	vst v63  }
.LBB2_14:
0x1d4: {  	[hbm4b:s25+s3] =	stream.linear.scatter [tilespmem:s24], [sflag:$0x3], $0x80, $0x38;
	[tilespmem:$0xE800] =	vst v63  }
0x1d5: {  	s24 =	smov.u32 s21;
	s21 =	smov.u32 s23  }
0x1d6: {  	s26 =	sadd.s32 $0x1100, s23;
	s21 =	sshra.s32 s21, $0x2;
	s25 =	sadd.s32 $0xA400, s24  }
0x1d7: {  	[hbm4b:s22+s3] =	stream.linear.scatter [tilespmem:s25], [sflag:$0x3], $0x80, $0x38;
	[tilespmem:$0xE800] =	vst v63  }
0x1d8: {  	p0 =	sne.s32 s23, $0x7700;
	s23 =	sadd.s32 $0xA488, s24;
	s25 =	sadd.s32 $0x10, s22  }
0x1d9: {  	[hbm4b:s25+s3] =	stream.linear.scatter [tilespmem:s23], [sflag:$0x3], $0x80, $0x38;
	[tilespmem:$0xE800] =	vst v63  }
0x1da: {  	s23 =	sadd.s32 $0xA510, s24;
	s25 =	sadd.s32 $0x20, s22  }
0x1db: {  	[hbm4b:s25+s3] =	stream.linear.scatter [tilespmem:s23], [sflag:$0x3], $0x80, $0x38;
	[tilespmem:$0xE800] =	vst v63  }
0x1dc: {  	s23 =	sadd.s32 $0xA598, s24;
	s25 =	sadd.s32 $0x30, s22  }
0x1dd: {  	[hbm4b:s25+s3] =	stream.linear.scatter [tilespmem:s23], [sflag:$0x3], $0x80, $0x38;
	[tilespmem:$0xE800] =	vst v63  }
0x1de: {  	s23 =	sadd.s32 $0xA620, s24;
	s25 =	sadd.s32 $0x40, s22  }
0x1df: {  	[hbm4b:s25+s3] =	stream.linear.scatter [tilespmem:s23], [sflag:$0x3], $0x80, $0x38;
	[tilespmem:$0xE800] =	vst v63  }
.Ltmp6:
0x1e0: {  	s23 =	sadd.s32 $0xA6A8, s24;
	s25 =	sadd.s32 $0x50, s22;
	(pc) =	sbr.rel @p0 .LBB2_14-.Ltmp6, $4  }
0x1e1: {  	[hbm4b:s25+s3] =	stream.linear.scatter [tilespmem:s23], [sflag:$0x3], $0x80, $0x38;
	[tilespmem:$0xE800] =	vst v63  }
0x1e2: {  	s23 =	sadd.s32 $0xA730, s24;
	s25 =	sadd.s32 $0x60, s22;
	s24 =	sadd.s32 $0xA7B8, s24  }
0x1e3: {  	[hbm4b:s25+s3] =	stream.linear.scatter [tilespmem:s23], [sflag:$0x3], $0x80, $0x38;
	[tilespmem:$0xE800] =	vst v63  }
0x1e4: {  	s25 =	sadd.s32 $0x70, s22;
	s22 =	sadd.s32 $0x4000, s22;
	s23 =	smov.u32 s26  }
0x1e5: {  	[hbm4b:s25+s3] =	stream.linear.scatter [tilespmem:s24], [sflag:$0x3], $0x80, $0x38;
	[tilespmem:$0xE800] =	vst v63  }
0x1e6: {  	s23 =	sadd.s32 $0xA400, s21  }
0x1e7: {  	[hbm4b:s22+s3] =	stream.linear.scatter [tilespmem:s23], [sflag:$0x3], $0x80, $0x38;
	[tilespmem:$0xE800] =	vst v63  }
0x1e8: {  	s30 =	sadd.s32 $0xA488, s21;
	s31 =	sadd.s32 $0x10, s22  }
0x1e9: {  	[hbm4b:s31+s3] =	stream.linear.scatter [tilespmem:s30], [sflag:$0x3], $0x80, $0x38;
	[tilespmem:$0xE800] =	vst v63  }
0x1ea: {  	s25 =	sadd.s32 $0xA510, s21;
	s26 =	sadd.s32 $0x20, s22  }
0x1eb: {  	[hbm4b:s26+s3] =	stream.linear.scatter [tilespmem:s25], [sflag:$0x3], $0x80, $0x38;
	[tilespmem:$0xE800] =	vst v63  }
0x1ec: {  	s28 =	sadd.s32 $0xA598, s21;
	s29 =	sadd.s32 $0x30, s22  }
0x1ed: {  	[hbm4b:s29+s3] =	stream.linear.scatter [tilespmem:s28], [sflag:$0x3], $0x80, $0x38;
	[tilespmem:$0xE800] =	vst v63  }
0x1ee: {  	s30 =	sadd.s32 $0xA620, s21;
	s31 =	sadd.s32 $0x40, s22  }
0x1ef: {  	[hbm4b:s31+s3] =	stream.linear.scatter [tilespmem:s30], [sflag:$0x3], $0x80, $0x38;
	[tilespmem:$0xE800] =	vst v63  }
0x1f0: {  	s24 =	sadd.s32 $0xA6A8, s21;
	s25 =	sadd.s32 $0x50, s22  }
0x1f1: {  	[hbm4b:s25+s3] =	stream.linear.scatter [tilespmem:s24], [sflag:$0x3], $0x80, $0x38;
	[tilespmem:$0xE800] =	vst v63  }
0x1f2: {  	s26 =	sadd.s32 $0xA730, s21;
	s28 =	sadd.s32 $0x60, s22  }
0x1f3: {  	[hbm4b:s28+s3] =	stream.linear.scatter [tilespmem:s26], [sflag:$0x3], $0x80, $0x38;
	[tilespmem:$0xE800] =	vst v63  }
0x1f4: {  	s29 =	sadd.s32 $0xA7B8, s21;
	s30 =	sadd.s32 $0x70, s22  }
0x1f5: {  	[hbm4b:s30+s3] =	stream.linear.scatter [tilespmem:s29], [sflag:$0x3], $0x80, $0x38;
	[tilespmem:$0xE800] =	vst v63  }
0x1f6: {  	_ =	swait.ge [sflag:s16], $0x2000  }
0x1f7: {  	[sflag:s16] =	ssyncset.done $0x0  }
0x1f8: {  	[sflag:s16] =	ssyncadd.s32 $0xFFFFE000  }
0x1f9: {  	v4 =	vimm.s32 $0x0;
	_ =	swait.ge [sflag:s19], $0x2000  }
0x1fa: {  	v5 =	vand.u32 $0xFFFFFFF8, v4;
	[sflag:s19] =	ssyncset.done $0x0  }
0x1fb: {  	v6 =	vand.u32 $0x4, v4;
	v7 =	vadd.s32 v0, v5;
	s31 =	simm.s32 $0x0;
	[sflag:s19] =	ssyncadd.s32 $0xFFFFE000  }
0x1fc: {  	v9 =	vor.u32 v6, v7;
	v8 =	vld [tilespmem:s31+$0x8400];
	_ =	sdelay $0x4  }
0x1fd: {  	[tilespmem:v9+s17+$0x0] =	vst.idx.msk $0xffff, v8;
	v8 =	vadd.s32 v1, v5  }
0x1fe: {  	v9 =	vld [tilespmem:s31+$0x8410];
	v10 =	vor.u32 v6, v8;
	_ =	sdelay $0x4  }
0x1ff: {  	v54 =	vadd.s32 v2, v5;
	[tilespmem:v10+s17+$0x0] =	vst.idx.msk $0xffff, v9  }
0x200: {  	v11 =	vor.u32 v6, v54;
	v10 =	vld [tilespmem:s31+$0x8420];
	_ =	sdelay $0x4  }
0x201: {  	v5 =	vadd.s32 v3, v5;
	[tilespmem:v11+s17+$0x0] =	vst.idx.msk $0xffff, v10  }
0x202: {  	v55 =	vor.u32 v6, v5;
	v10 =	vld [tilespmem:s31+$0x8430];
	_ =	sdelay $0x4  }
0x203: {  	v56 =	vor.u32 $0x1, v6;
	[tilespmem:v55+s17+$0x0] =	vst.idx.msk $0xffff, v10  }
0x204: {  	v12 =	vor.u32 v56, v7;
	v11 =	vld [tilespmem:s31+$0x8440];
	_ =	sdelay $0x4  }
0x205: {  	[tilespmem:v12+s17+$0x0] =	vst.idx.msk $0xffff, v11  }
0x206: {  	v57 =	vor.u32 v56, v8;
	v11 =	vld [tilespmem:s31+$0x8450];
	_ =	sdelay $0x4  }
0x207: {  	[tilespmem:v57+s17+$0x0] =	vst.idx.msk $0xffff, v11  }
0x208: {  	v58 =	vor.u32 v56, v54;
	v11 =	vld [tilespmem:s31+$0x8460];
	_ =	sdelay $0x4  }
0x209: {  	[tilespmem:v58+s17+$0x0] =	vst.idx.msk $0xffff, v11  }
0x20a: {  	v10 =	vor.u32 v56, v5;
	v11 =	vld [tilespmem:s31+$0x8470];
	_ =	sdelay $0x4  }
0x20b: {  	v59 =	vor.u32 $0x2, v6;
	[tilespmem:v10+s17+$0x0] =	vst.idx.msk $0xffff, v11  }
0x20c: {  	v60 =	vor.u32 v59, v7;
	v11 =	vld [tilespmem:s31+$0x8480];
	_ =	sdelay $0x4  }
0x20d: {  	[tilespmem:v60+s17+$0x0] =	vst.idx.msk $0xffff, v11  }
0x20e: {  	v61 =	vor.u32 v59, v8;
	v11 =	vld [tilespmem:s31+$0x8490];
	_ =	sdelay $0x4  }
0x20f: {  	[tilespmem:v61+s17+$0x0] =	vst.idx.msk $0xffff, v11  }
0x210: {  	v62 =	vor.u32 v59, v54;
	v11 =	vld [tilespmem:s31+$0x84A0];
	_ =	sdelay $0x4  }
0x211: {  	[tilespmem:v62+s17+$0x0] =	vst.idx.msk $0xffff, v11  }
0x212: {  	v10 =	vor.u32 v59, v5;
	v11 =	vld [tilespmem:s31+$0x84B0];
	_ =	sdelay $0x4  }
0x213: {  	v63 =	vor.u32 $0x3, v6;
	[tilespmem:v10+s17+$0x0] =	vst.idx.msk $0xffff, v11  }
0x214: {  	v7 =	vor.u32 v63, v7;
	v6 =	vld [tilespmem:s31+$0x84C0];
	_ =	sdelay $0x4  }
0x215: {  	[tilespmem:v7+s17+$0x0] =	vst.idx.msk $0xffff, v6  }
0x216: {  	v7 =	vor.u32 v63, v8;
	v6 =	vld [tilespmem:s31+$0x84D0];
	_ =	sdelay $0x4  }
0x217: {  	[tilespmem:v7+s17+$0x0] =	vst.idx.msk $0xffff, v6  }
0x218: {  	v7 =	vor.u32 v63, v54;
	v6 =	vld [tilespmem:s31+$0x84E0];
	_ =	sdelay $0x4  }
0x219: {  	[tilespmem:v7+s17+$0x0] =	vst.idx.msk $0xffff, v6  }
0x21a: {  	v7 =	vor.u32 v63, v5;
	v6 =	vld [tilespmem:s31+$0x84F0];
	_ =	sdelay $0x2  }
0x21b: {  	v4 =	vadd.s32 $0x4, v4  }
0x21c: {  	s21 =	simm.s32 $0x400;
	s22 =	simm.s32 $0x800;
	v5 =	vand.u32 $0xFFFFFFF8, v4  }
.LBB2_16:
0x21d: {  	p0 =	sne.s32 s22, $0x7C00;
	s23 =	sshra.s32 s21, $0x2;
	v8 =	vand.u32 $0x4, v4;
	v9 =	vadd.s32 v0, v5;
	[tilespmem:v7+s17+$0x0] =	vst.idx.msk $0xffff, v6;
	s21 =	smov.u32 s22  }
0x21e: {  	v6 =	vld [tilespmem:s23+$0x8400];
	v7 =	vor.u32 v8, v9;
	_ =	sdelay $0x4  }
0x21f: {  	[tilespmem:v7+s17+$0x0] =	vst.idx.msk $0xffff, v6;
	v6 =	vadd.s32 v1, v5  }
0x220: {  	v7 =	vld [tilespmem:s23+$0x8410];
	v10 =	vor.u32 v8, v6;
	_ =	sdelay $0x4  }
0x221: {  	[tilespmem:v10+s17+$0x0] =	vst.idx.msk $0xffff, v7;
	v7 =	vadd.s32 v2, v5  }
0x222: {  	v10 =	vld [tilespmem:s23+$0x8420];
	v11 =	vor.u32 v8, v7;
	_ =	sdelay $0x4  }
0x223: {  	v5 =	vadd.s32 v3, v5;
	[tilespmem:v11+s17+$0x0] =	vst.idx.msk $0xffff, v10  }
0x224: {  	v11 =	vor.u32 v8, v5;
	v10 =	vld [tilespmem:s23+$0x8430];
	_ =	sdelay $0x4  }
0x225: {  	[tilespmem:v11+s17+$0x0] =	vst.idx.msk $0xffff, v10;
	v10 =	vor.u32 $0x1, v8  }
0x226: {  	v11 =	vld [tilespmem:s23+$0x8440];
	v12 =	vor.u32 v10, v9;
	_ =	sdelay $0x4  }
0x227: {  	[tilespmem:v12+s17+$0x0] =	vst.idx.msk $0xffff, v11  }
0x228: {  	v12 =	vor.u32 v10, v6;
	v11 =	vld [tilespmem:s23+$0x8450];
	_ =	sdelay $0x4  }
0x229: {  	[tilespmem:v12+s17+$0x0] =	vst.idx.msk $0xffff, v11  }
0x22a: {  	v12 =	vor.u32 v10, v7;
	v11 =	vld [tilespmem:s23+$0x8460];
	_ =	sdelay $0x4  }
0x22b: {  	[tilespmem:v12+s17+$0x0] =	vst.idx.msk $0xffff, v11  }
0x22c: {  	v10 =	vor.u32 v10, v5;
	v11 =	vld [tilespmem:s23+$0x8470];
	_ =	sdelay $0x4  }
0x22d: {  	[tilespmem:v10+s17+$0x0] =	vst.idx.msk $0xffff, v11;
	v10 =	vor.u32 $0x2, v8  }
0x22e: {  	v11 =	vld [tilespmem:s23+$0x8480];
	v12 =	vor.u32 v10, v9;
	_ =	sdelay $0x4  }
0x22f: {  	[tilespmem:v12+s17+$0x0] =	vst.idx.msk $0xffff, v11  }
0x230: {  	v12 =	vor.u32 v10, v6;
	v11 =	vld [tilespmem:s23+$0x8490];
	_ =	sdelay $0x4  }
0x231: {  	[tilespmem:v12+s17+$0x0] =	vst.idx.msk $0xffff, v11  }
0x232: {  	v12 =	vor.u32 v10, v7;
	v11 =	vld [tilespmem:s23+$0x84A0];
	_ =	sdelay $0x4  }
0x233: {  	[tilespmem:v12+s17+$0x0] =	vst.idx.msk $0xffff, v11  }
0x234: {  	v10 =	vor.u32 v10, v5;
	v11 =	vld [tilespmem:s23+$0x84B0];
	_ =	sdelay $0x4  }
0x235: {  	v8 =	vor.u32 $0x3, v8;
	[tilespmem:v10+s17+$0x0] =	vst.idx.msk $0xffff, v11  }
0x236: {  	v9 =	vor.u32 v8, v9;
	v10 =	vld [tilespmem:s23+$0x84C0];
	_ =	sdelay $0x4  }
0x237: {  	[tilespmem:v9+s17+$0x0] =	vst.idx.msk $0xffff, v10  }
0x238: {  	v6 =	vor.u32 v8, v6;
	v9 =	vld [tilespmem:s23+$0x84D0];
	_ =	sdelay $0x4  }
0x239: {  	[tilespmem:v6+s17+$0x0] =	vst.idx.msk $0xffff, v9  }
0x23a: {  	v7 =	vor.u32 v8, v7;
	v6 =	vld [tilespmem:s23+$0x84E0];
	_ =	sdelay $0x4  }
0x23b: {  	[tilespmem:v7+s17+$0x0] =	vst.idx.msk $0xffff, v6  }
.Ltmp7:
0x23c: {  	v7 =	vor.u32 v8, v5;
	v6 =	vld [tilespmem:s23+$0x84F0];
	(pc) =	sbr.rel @p0 .LBB2_16-.Ltmp7, $3  }
0x23d: {  	_ =	sdelay $0x1  }
0x23e: {  	v4 =	vadd.s32 $0x4, v4  }
0x23f: {  	s22 =	sadd.s32 $0x400, s22;
	v5 =	vand.u32 $0xFFFFFFF8, v4  }
0x240: {  	_ =	sdelay $0x3  }
0x241: {  	s21 =	sshra.s32 s21, $0x2;
	v4 =	vand.u32 $0x4, v4;
	v8 =	vadd.s32 v0, v5;
	[tilespmem:v7+s17+$0x0] =	vst.idx.msk $0xffff, v6  }
0x242: {  	v6 =	vld [tilespmem:s21+$0x8400];
	v53 =	vor.u32 v4, v8;
	_ =	sdelay $0x4  }
0x243: {  	v54 =	vadd.s32 v1, v5;
	[tilespmem:v53+s17+$0x0] =	vst.idx.msk $0xffff, v6  }
0x244: {  	v9 =	vor.u32 v4, v54;
	v7 =	vld [tilespmem:s21+$0x8410];
	_ =	sdelay $0x4  }
0x245: {  	v55 =	vadd.s32 v2, v5;
	[tilespmem:v9+s17+$0x0] =	vst.idx.msk $0xffff, v7  }
0x246: {  	v10 =	vor.u32 v4, v55;
	v9 =	vld [tilespmem:s21+$0x8420];
	_ =	sdelay $0x4  }
0x247: {  	v5 =	vadd.s32 v3, v5;
	[tilespmem:v10+s17+$0x0] =	vst.idx.msk $0xffff, v9  }
0x248: {  	v56 =	vor.u32 v4, v5;
	v9 =	vld [tilespmem:s21+$0x8430];
	_ =	sdelay $0x4  }
0x249: {  	v57 =	vor.u32 $0x1, v4;
	[tilespmem:v56+s17+$0x0] =	vst.idx.msk $0xffff, v9  }
0x24a: {  	v11 =	vor.u32 v57, v8;
	v10 =	vld [tilespmem:s21+$0x8440];
	_ =	sdelay $0x4  }
0x24b: {  	[tilespmem:v11+s17+$0x0] =	vst.idx.msk $0xffff, v10  }
0x24c: {  	v58 =	vor.u32 v57, v54;
	v10 =	vld [tilespmem:s21+$0x8450];
	_ =	sdelay $0x4  }
0x24d: {  	[tilespmem:v58+s17+$0x0] =	vst.idx.msk $0xffff, v10  }
0x24e: {  	v59 =	vor.u32 v57, v55;
	v10 =	vld [tilespmem:s21+$0x8460];
	_ =	sdelay $0x4  }
0x24f: {  	[tilespmem:v59+s17+$0x0] =	vst.idx.msk $0xffff, v10  }
0x250: {  	v9 =	vor.u32 v57, v5;
	v10 =	vld [tilespmem:s21+$0x8470];
	_ =	sdelay $0x4  }
0x251: {  	v60 =	vor.u32 $0x2, v4;
	[tilespmem:v9+s17+$0x0] =	vst.idx.msk $0xffff, v10  }
0x252: {  	v61 =	vor.u32 v60, v8;
	v10 =	vld [tilespmem:s21+$0x8480];
	_ =	sdelay $0x4  }
0x253: {  	[tilespmem:v61+s17+$0x0] =	vst.idx.msk $0xffff, v10  }
0x254: {  	v62 =	vor.u32 v60, v54;
	v10 =	vld [tilespmem:s21+$0x8490];
	_ =	sdelay $0x4  }
0x255: {  	[tilespmem:v62+s17+$0x0] =	vst.idx.msk $0xffff, v10  }
0x256: {  	v63 =	vor.u32 v60, v55;
	v10 =	vld [tilespmem:s21+$0x84A0];
	_ =	sdelay $0x4  }
0x257: {  	[tilespmem:v63+s17+$0x0] =	vst.idx.msk $0xffff, v10  }
0x258: {  	v9 =	vor.u32 v60, v5;
	v10 =	vld [tilespmem:s21+$0x84B0];
	_ =	sdelay $0x4  }
0x259: {  	v4 =	vor.u32 $0x3, v4;
	[tilespmem:v9+s17+$0x0] =	vst.idx.msk $0xffff, v10  }
0x25a: {  	v8 =	vor.u32 v4, v8;
	v9 =	vld [tilespmem:s21+$0x84C0];
	_ =	sdelay $0x4  }
0x25b: {  	[tilespmem:v8+s17+$0x0] =	vst.idx.msk $0xffff, v9  }
0x25c: {  	v6 =	vor.u32 v4, v54;
	v8 =	vld [tilespmem:s21+$0x84D0];
	_ =	sdelay $0x4  }
0x25d: {  	[tilespmem:v6+s17+$0x0] =	vst.idx.msk $0xffff, v8  }
0x25e: {  	v7 =	vor.u32 v4, v55;
	v6 =	vld [tilespmem:s21+$0x84E0];
	_ =	sdelay $0x4  }
0x25f: {  	[tilespmem:v7+s17+$0x0] =	vst.idx.msk $0xffff, v6  }
0x260: {  	v4 =	vor.u32 v4, v5;
	v6 =	vld [tilespmem:s21+$0x84F0];
	_ =	sdelay $0x4  }
0x261: {  	s28 =	simm.s32 $0xC600;
	[tilespmem:v4+s17+$0x0] =	vst.idx.msk $0xffff, v6  }
0x262: {  	[hbm4b:s8+s3] =	stream.linear.scatter [tilespmem:s28], [sflag:$0x4], $0x80, $0x38;
	[tilespmem:$0xE800] =	vst v63  }
0x263: {  	s29 =	simm.s32 $0xC688;
	s22 =	sadd.s32 $0x10, s8  }
0x264: {  	[hbm4b:s22+s3] =	stream.linear.scatter [tilespmem:s29], [sflag:$0x4], $0x80, $0x38;
	[tilespmem:$0xE800] =	vst v63  }
0x265: {  	s30 =	simm.s32 $0xC710;
	s31 =	sadd.s32 $0x20, s8;
	s23 =	simm.s32 $0xC798  }
0x266: {  	[hbm4b:s31+s3] =	stream.linear.scatter [tilespmem:s30], [sflag:$0x4], $0x80, $0x38;
	[tilespmem:$0xE800] =	vst v63  }
0x267: {  	s24 =	sadd.s32 $0x30, s8;
	s25 =	simm.s32 $0xC820;
	s26 =	sadd.s32 $0x40, s8  }
0x268: {  	[hbm4b:s24+s3] =	stream.linear.scatter [tilespmem:s23], [sflag:$0x4], $0x80, $0x38;
	[tilespmem:$0xE800] =	vst v63  }
0x269: {  	s21 =	simm.s32 $0x440;
	s28 =	simm.s32 $0xC8A8;
	s29 =	sadd.s32 $0x50, s8  }
0x26a: {  	[hbm4b:s26+s3] =	stream.linear.scatter [tilespmem:s25], [sflag:$0x4], $0x80, $0x38;
	[tilespmem:$0xE800] =	vst v63  }
0x26b: {  	s22 =	sadd.s32 $0x4000, s8;
	s30 =	simm.s32 $0xC930;
	s31 =	sadd.s32 $0x60, s8  }
0x26c: {  	[hbm4b:s29+s3] =	stream.linear.scatter [tilespmem:s28], [sflag:$0x4], $0x80, $0x38;
	[tilespmem:$0xE800] =	vst v63  }
0x26d: {  	s23 =	simm.s32 $0x2200;
	s24 =	simm.s32 $0xC9B8;
	s25 =	sadd.s32 $0x70, s8  }
0x26e: {  	[hbm4b:s31+s3] =	stream.linear.scatter [tilespmem:s30], [sflag:$0x4], $0x80, $0x38;
	[tilespmem:$0xE800] =	vst v63  }
.LBB2_18:
0x26f: {  	[hbm4b:s25+s3] =	stream.linear.scatter [tilespmem:s24], [sflag:$0x4], $0x80, $0x38;
	[tilespmem:$0xE800] =	vst v63  }
0x270: {  	s24 =	smov.u32 s21;
	s21 =	smov.u32 s23  }
0x271: {  	s26 =	sadd.s32 $0x1100, s23;
	s21 =	sshra.s32 s21, $0x2;
	s25 =	sadd.s32 $0xC600, s24  }
0x272: {  	[hbm4b:s22+s3] =	stream.linear.scatter [tilespmem:s25], [sflag:$0x4], $0x80, $0x38;
	[tilespmem:$0xE800] =	vst v63  }
0x273: {  	p0 =	sne.s32 s23, $0x7700;
	s23 =	sadd.s32 $0xC688, s24;
	s25 =	sadd.s32 $0x10, s22  }
0x274: {  	[hbm4b:s25+s3] =	stream.linear.scatter [tilespmem:s23], [sflag:$0x4], $0x80, $0x38;
	[tilespmem:$0xE800] =	vst v63  }
0x275: {  	s23 =	sadd.s32 $0xC710, s24;
	s25 =	sadd.s32 $0x20, s22  }
0x276: {  	[hbm4b:s25+s3] =	stream.linear.scatter [tilespmem:s23], [sflag:$0x4], $0x80, $0x38;
	[tilespmem:$0xE800] =	vst v63  }
0x277: {  	s23 =	sadd.s32 $0xC798, s24;
	s25 =	sadd.s32 $0x30, s22  }
0x278: {  	[hbm4b:s25+s3] =	stream.linear.scatter [tilespmem:s23], [sflag:$0x4], $0x80, $0x38;
	[tilespmem:$0xE800] =	vst v63  }
0x279: {  	s23 =	sadd.s32 $0xC820, s24;
	s25 =	sadd.s32 $0x40, s22  }
0x27a: {  	[hbm4b:s25+s3] =	stream.linear.scatter [tilespmem:s23], [sflag:$0x4], $0x80, $0x38;
	[tilespmem:$0xE800] =	vst v63  }
.Ltmp8:
0x27b: {  	s23 =	sadd.s32 $0xC8A8, s24;
	s25 =	sadd.s32 $0x50, s22;
	(pc) =	sbr.rel @p0 .LBB2_18-.Ltmp8, $4  }
0x27c: {  	[hbm4b:s25+s3] =	stream.linear.scatter [tilespmem:s23], [sflag:$0x4], $0x80, $0x38;
	[tilespmem:$0xE800] =	vst v63  }
0x27d: {  	s23 =	sadd.s32 $0xC930, s24;
	s25 =	sadd.s32 $0x60, s22;
	s24 =	sadd.s32 $0xC9B8, s24  }
0x27e: {  	[hbm4b:s25+s3] =	stream.linear.scatter [tilespmem:s23], [sflag:$0x4], $0x80, $0x38;
	[tilespmem:$0xE800] =	vst v63  }
0x27f: {  	s25 =	sadd.s32 $0x70, s22;
	s22 =	sadd.s32 $0x4000, s22;
	s23 =	smov.u32 s26  }
0x280: {  	[hbm4b:s25+s3] =	stream.linear.scatter [tilespmem:s24], [sflag:$0x4], $0x80, $0x38;
	[tilespmem:$0xE800] =	vst v63  }
0x281: {  	s23 =	sadd.s32 $0xC600, s21  }
0x282: {  	[hbm4b:s22+s3] =	stream.linear.scatter [tilespmem:s23], [sflag:$0x4], $0x80, $0x38;
	[tilespmem:$0xE800] =	vst v63  }
0x283: {  	s30 =	sadd.s32 $0xC688, s21;
	s31 =	sadd.s32 $0x10, s22  }
0x284: {  	[hbm4b:s31+s3] =	stream.linear.scatter [tilespmem:s30], [sflag:$0x4], $0x80, $0x38;
	[tilespmem:$0xE800] =	vst v63  }
0x285: {  	s25 =	sadd.s32 $0xC710, s21;
	s26 =	sadd.s32 $0x20, s22  }
0x286: {  	[hbm4b:s26+s3] =	stream.linear.scatter [tilespmem:s25], [sflag:$0x4], $0x80, $0x38;
	[tilespmem:$0xE800] =	vst v63  }
0x287: {  	s28 =	sadd.s32 $0xC798, s21;
	s29 =	sadd.s32 $0x30, s22  }
0x288: {  	[hbm4b:s29+s3] =	stream.linear.scatter [tilespmem:s28], [sflag:$0x4], $0x80, $0x38;
	[tilespmem:$0xE800] =	vst v63  }
0x289: {  	s30 =	sadd.s32 $0xC820, s21;
	s31 =	sadd.s32 $0x40, s22  }
0x28a: {  	[hbm4b:s31+s3] =	stream.linear.scatter [tilespmem:s30], [sflag:$0x4], $0x80, $0x38;
	[tilespmem:$0xE800] =	vst v63  }
0x28b: {  	s25 =	sadd.s32 $0xC8A8, s21;
	s26 =	sadd.s32 $0x50, s22  }
0x28c: {  	[hbm4b:s26+s3] =	stream.linear.scatter [tilespmem:s25], [sflag:$0x4], $0x80, $0x38;
	[tilespmem:$0xE800] =	vst v63  }
0x28d: {  	s28 =	sadd.s32 $0xC930, s21;
	s29 =	sadd.s32 $0x60, s22  }
0x28e: {  	[hbm4b:s29+s3] =	stream.linear.scatter [tilespmem:s28], [sflag:$0x4], $0x80, $0x38;
	[tilespmem:$0xE800] =	vst v63  }
0x28f: {  	s20 =	sadd.s32 $0x1, s20;
	s30 =	sadd.s32 $0xC9B8, s21;
	s31 =	sadd.s32 $0x70, s22  }
0x290: {  	[hbm4b:s31+s3] =	stream.linear.scatter [tilespmem:s30], [sflag:$0x4], $0x80, $0x38;
	[tilespmem:$0xE800] =	vst v63  }
0x291: {  	p0 =	sne.s32 s20, s9;
	_ =	swait.ge [sflag:s18], $0x2000  }
.Ltmp9:
0x292: {  	[sflag:s18] =	ssyncset.done $0x0;
	(pc) =	sbr.rel @p0 .LBB2_1-.Ltmp9, $4  }
0x293: {  	[sflag:s18] =	ssyncadd.s32 $0xFFFFE000  }
0x294: {  	_ =	swait.ge [sflag:s19], $0x2000  }
0x295: {  	[sflag:s19] =	ssyncset.done $0x0  }
0x296: {  	[sflag:s19] =	ssyncadd.s32 $0xFFFFE000  }
0x297: {  	_ =	sfence.sel $0x180000  }
0x298: {  	[bflag:$0x0] =	sbarrier.arrive $0xFFFF  }
0x299: {  	p0 =	sne.s32 s0, $0x0;
	_ =	strace $0x90000047  }
0x29a: {  	s0 =	sadd.s32 @!p0 $0x100000, s1;
	[bflag:$0x2] =	sbarrier.arrive $0xFFFF  }
0x29b: {  	[sflag:s0] =	ssyncadd.tile.s32 @!p0 $0x1;
	_ =	shalt  }
.Lfunc_end2:
_tile_overlayer_lowered:
.L_overlay_start_2:
0x29c: {  	(tag) =	ssettag $0x2  }
0x29d: {  	s0 =	rddreg [dreg:$0x0];
	s2 =	stileid.u32  }
0x29e: {  	s1 =	rddreg [dreg:$0x1];
	p0 =	sne.s32 s2, $0x0  }
0x29f: {  	s3 =	rddreg [dreg:$0x2];
	[bflag:$0x3] =	sbarrier.arrive $0xFFFF;
	s2 =	simm.s32 @!p0 $0x1C05  }
0x2a0: {  	[timem:s3], [sflag:s2] =	dma.local @!p0 [hbm:s0], s1  }
0x2a1: {  	s0 =	simm.s32 @!p0 $0x5  }
0x2a2: {  	_ =	swait.ge @!p0 [sflag:s0], s1  }
0x2a3: {  	s1 =	ssub.s32 @!p0 $0x0, s1;
	[sflag:s0] =	ssyncset.done @!p0 $0x0  }
0x2a4: {  	[sflag:s0] =	ssyncadd.s32 @!p0 s1  }
0x2a5: {  	[bflag:$0x3] =	sbarrier.arrive $0xFFFF  }
0x2a6: {  	_ =	shalt  }

</sc_bundles>
